<compile_context>
chip_gen: v7x
topology: tpu7x:2x2x1
jax: 0.10.2.dev20260603
libtpu: 0.0.44.dev20260713+nightly
codegen_flags: <defaults>
</compile_context>

<pallas_src>
import functools

import jax
import jax.numpy as jnp
import numpy as np
from jax import lax
from jax.experimental import pallas as pl
from jax.experimental.pallas import tpu as pltpu
from jax.experimental.pallas import tpu_sc as plsc

N = 2048
D = 768
F = 2048
E = 8
TILE = 128
NPAD = N + E * TILE
NT = NPAD // TILE
NW = 32
TPW = N // NW

_GELU_C = np.float32(np.sqrt(2.0 / np.pi))


def _router_body(lg_ref, dest_ref, te_ref, aux_ref, oh_ref):
    logits = lg_ref[...]
    m = jnp.max(logits, axis=1, keepdims=True)
    ex = jnp.exp(logits - m)
    probs = ex / jnp.sum(ex, axis=1, keepdims=True)

    maxp = jnp.max(probs, axis=1, keepdims=True)
    ism = (probs == maxp).astype(jnp.float32)
    r8 = lax.broadcasted_iota(jnp.int32, (E, E), 0)
    c8 = lax.broadcasted_iota(jnp.int32, (E, E), 1)
    upper = (r8 <= c8).astype(jnp.float32)
    pref = jnp.dot(ism, upper, preferred_element_type=jnp.float32)
    onehot = ism * (pref == 1.0).astype(jnp.float32)
    oh_ref[...] = onehot

    counts = jnp.sum(onehot, axis=0, keepdims=True)
    pbar = jnp.mean(probs, axis=0, keepdims=True)
    aux_ref[...] = jnp.float32(E) * jnp.sum(
        counts / jnp.float32(N) * pbar, keepdims=True
    )

    rt = lax.broadcasted_iota(jnp.int32, (TILE, TILE), 0)
    ct = lax.broadcasted_iota(jnp.int32, (TILE, TILE), 1)
    tri = (rt >= ct).astype(jnp.float32)

    def body(i, base):
        chunk = oh_ref[pl.ds(i * TILE, TILE), :]
        cs = jnp.dot(tri, chunk, preferred_element_type=jnp.float32) + base
        oh_ref[pl.ds(i * TILE, TILE), :] = cs
        return cs[TILE - 1:TILE, :]

    lax.fori_loop(0, N // TILE, body, jnp.zeros((1, E), jnp.float32))
    cum = oh_ref[...]

    pc = jnp.ceil(counts / jnp.float32(TILE)) * jnp.float32(TILE)
    ends = jnp.dot(pc, upper, preferred_element_type=jnp.float32)
    po = ends - pc
    dest_f = jnp.sum(onehot * (cum + po - 1.0), axis=1, keepdims=True)
    dest_ref[...] = dest_f.astype(jnp.int32)

    tcut = lax.broadcasted_iota(jnp.int32, (NT, 1), 0).astype(jnp.float32) * jnp.float32(TILE)
    done = (jnp.broadcast_to(ends, (NT, E)) <= tcut).astype(jnp.float32)
    te = jnp.clip(jnp.sum(done, axis=1, keepdims=True), 0.0, jnp.float32(E - 1))
    n_used = ends[:, E - 1:E] / jnp.float32(TILE)
    te_ref[...] = jnp.concatenate([te, n_used], axis=0).astype(jnp.int32)


def _router(logits):
    return pl.pallas_call(
        _router_body,
        out_shape=[
            jax.ShapeDtypeStruct((N, 1), jnp.int32),
            jax.ShapeDtypeStruct((NT + 1, 1), jnp.int32),
            jax.ShapeDtypeStruct((1, 1), jnp.float32),
        ],
        scratch_shapes=[pltpu.VMEM((N, E), jnp.float32)],
    )(logits)


@functools.cache
def _sc_kernels():
    mesh = plsc.VectorSubcoreMesh(core_axis_name="c", subcore_axis_name="s")

    @functools.partial(
        pl.kernel,
        out_type=jax.ShapeDtypeStruct((NPAD, D), jnp.float32),
        mesh=mesh,
        scratch_types=[
            pltpu.VMEM((TPW,), jnp.int32),
            pltpu.VMEM((TPW, D), jnp.float32),
            pltpu.SemaphoreType.DMA,
        ],
    )
    def sc_scatter(x_hbm, dest_hbm, xs_hbm, idx_v, rows_v, sem):
        wid = lax.axis_index("s") * 2 + lax.axis_index("c")
        base = wid * TPW
        pltpu.sync_copy(dest_hbm.at[pl.ds(base, TPW)], idx_v)
        pltpu.sync_copy(x_hbm.at[pl.ds(base, TPW)], rows_v)
        pltpu.async_copy(rows_v, xs_hbm.at[idx_v], sem).wait()

    @functools.partial(
        pl.kernel,
        out_type=jax.ShapeDtypeStruct((N, D), jnp.float32),
        mesh=mesh,
        scratch_types=[
            pltpu.VMEM((TPW,), jnp.int32),
            pltpu.VMEM((TPW, D), jnp.float32),
            pltpu.SemaphoreType.DMA,
        ],
    )
    def sc_gather(ys_hbm, dest_hbm, out_hbm, idx_v, rows_v, sem):
        wid = lax.axis_index("s") * 2 + lax.axis_index("c")
        base = wid * TPW
        pltpu.sync_copy(dest_hbm.at[pl.ds(base, TPW)], idx_v)
        pltpu.async_copy(ys_hbm.at[idx_v], rows_v, sem).wait()
        pltpu.sync_copy(rows_v, out_hbm.at[pl.ds(base, TPW)])

    return sc_scatter, sc_gather


def _ffn_body(te_ref, xs_ref, w1_ref, w2_ref, ys_ref, w1q_ref, w2q_ref):
    i = pl.program_id(0)

    @pl.when(i < te_ref[NT])
    def _compute_tile():
        cur = te_ref[i]
        prev = te_ref[jnp.maximum(i - 1, 0)]

        @pl.when((i == 0) | (cur != prev))
        def _quantize_weights():
            inv_n = jnp.float32(1.0 / (D * F))
            w1 = w1_ref[0]
            s1 = 1.0 / jnp.clip(jnp.sum(jnp.abs(w1)) * inv_n, 1e-5)
            w1q_ref[...] = jnp.clip(jnp.round(w1 * s1), -1.0, 1.0) / s1
            w2 = w2_ref[0]
            s2 = 1.0 / jnp.clip(jnp.sum(jnp.abs(w2)) * inv_n, 1e-5)
            w2q_ref[...] = jnp.clip(jnp.round(w2 * s2), -1.0, 1.0) / s2

        x = xs_ref[...]
        sx = 127.0 / jnp.clip(jnp.max(jnp.abs(x), axis=1, keepdims=True), 1e-5)
        xq = jnp.clip(jnp.round(x * sx), -128.0, 127.0) / sx
        h = jnp.dot(xq, w1q_ref[...])
        g = 0.5 * h * (1.0 + jnp.tanh(_GELU_C * (h + 0.044715 * h * h * h)))
        sg = 127.0 / jnp.clip(jnp.max(jnp.abs(g), axis=1, keepdims=True), 1e-5)
        gq = jnp.clip(jnp.round(g * sg), -128.0, 127.0) / sg
        y = jnp.dot(gq, w2q_ref[...])
        ys_ref[...] = y


def _ffn(te, xs, w1, w2):
    grid_spec = pltpu.PrefetchScalarGridSpec(
        num_scalar_prefetch=1,
        grid=(NT,),
        in_specs=[
            pl.BlockSpec((TILE, D), lambda i, te: (i, 0)),
            pl.BlockSpec((1, D, F), lambda i, te: (te[i], 0, 0)),
            pl.BlockSpec((1, F, D), lambda i, te: (te[i], 0, 0)),
        ],
        out_specs=pl.BlockSpec((TILE, D), lambda i, te: (i, 0)),
        scratch_shapes=[
            pltpu.VMEM((D, F), jnp.float32),
            pltpu.VMEM((F, D), jnp.float32),
        ],
    )
    return pl.pallas_call(
        _ffn_body,
        grid_spec=grid_spec,
        out_shape=jax.ShapeDtypeStruct((NPAD, D), jnp.float32),
        compiler_params=pltpu.CompilerParams(
            dimension_semantics=("arbitrary",),
            vmem_limit_bytes=100 * 1024 * 1024,
        ),
    )(te, xs, w1, w2)


def kernel(x, router_w, w1, w2):
    sc_scatter, sc_gather = _sc_kernels()
    xf = x.reshape(N, D)
    logits = jnp.dot(xf, router_w)
    dest2d, te2d, aux = _router(logits)
    dest = dest2d.reshape(N)
    te = te2d.reshape(NT + 1)
    xs = sc_scatter(xf, dest)
    ys = _ffn(te, xs, w1, w2)
    out = sc_gather(ys, dest)
    return out.reshape(x.shape), aux.reshape(())

# --- scband reference (transcript-rebuilt; emitter-appended) ---
"""Pipeline reference for scband-mo-ebit-net-ffn-56332791054921 (READ-ONLY COPY).

The authoritative reference and input builder live on the scoring server;
editing this copy changes nothing except your own understanding.
"""

import jax, jax.numpy as jnp
import numpy as np

B, T, D_MODEL, D_FF, N_EXPERTS, TOP_K = 1, 2048, 768, 2048, 8, 1


def setup_inputs(seed: int = 0) -> dict:
    key = jax.random.key(seed)
    k1, k2, k3, k4 = jax.random.split(key, 4)
    x = jax.random.normal(k1, (B, T, D_MODEL), dtype=jnp.float32)
    router_w = jax.random.normal(k2, (D_MODEL, N_EXPERTS), dtype=jnp.float32) * 0.02
    w1 = jax.random.normal(k3, (N_EXPERTS, D_MODEL, D_FF), dtype=jnp.float32) * 0.02
    w2 = jax.random.normal(k4, (N_EXPERTS, D_FF, D_MODEL), dtype=jnp.float32) * 0.02
    return {"x": x, "router_w": router_w, "w1": w1, "w2": w2}


def _weight_quant(w):
    # BitNet b1.58 ternary weight quantization with straight-through estimator
    scale = 1.0 / jnp.clip(jnp.mean(jnp.abs(w)), 1e-5)
    wq = jnp.clip(jnp.round(w * scale), -1.0, 1.0) / scale
    return w + jax.lax.stop_gradient(wq - w)


def _act_quant(x):
    # 8-bit per-token activation quantization with STE
    scale = 127.0 / jnp.clip(jnp.max(jnp.abs(x), axis=-1, keepdims=True), 1e-5)
    xq = jnp.clip(jnp.round(x * scale), -128.0, 127.0) / scale
    return x + jax.lax.stop_gradient(xq - x)


def _bitnet_ffn(x, w1_e, w2_e):
    h = jnp.dot(_act_quant(x), _weight_quant(w1_e))
    h = jax.nn.gelu(h)
    return jnp.dot(_act_quant(h), _weight_quant(w2_e))


def _forward(x, router_w, w1, w2):
    Bc, Tc, D = x.shape
    E = router_w.shape[1]
    router_logits = jnp.dot(x, router_w)                       # (B, T, E)
    router_probs = jax.nn.softmax(router_logits, axis=-1)
    top_probs, top_indices = jax.lax.top_k(router_probs, TOP_K)  # (B, T, K)
    top_probs = top_probs / (jnp.sum(top_probs, axis=-1, keepdims=True) + 1e-8)
    x_flat = x.reshape(-1, D)                                   # (N, D)
    idx_flat = top_indices.reshape(-1, TOP_K)                   # (N, K)
    prob_flat = top_probs.reshape(-1, TOP_K)                    # (N, K)
    out_flat = jnp.zeros_like(x_flat)
    for e_idx in range(E):
        gate = jnp.zeros((x_flat.shape[0],), dtype=x.dtype)
        for k_idx in range(TOP_K):
            gate = gate + prob_flat[:, k_idx] * (idx_flat[:, k_idx] == e_idx).astype(x.dtype)
        expert_out = _bitnet_ffn(x_flat, w1[e_idx], w2[e_idx])
        out_flat = out_flat + expert_out * gate[:, None]
    output = out_flat.reshape(Bc, Tc, D)
    # load balancing aux loss
    n_tokens = Bc * Tc
    one_hot = jax.nn.one_hot(top_indices, E, dtype=jnp.float32)  # (B, T, K, E)
    f = jnp.sum(one_hot, axis=(0, 1, 2)) / (n_tokens * TOP_K)
    p = jnp.mean(router_probs, axis=(0, 1))
    aux_loss = E * jnp.sum(f * p)
    return output, aux_loss


def reference(x, router_w, w1, w2):
    return _forward(x, router_w, w1, w2)

if __name__ == "__main__":
    import jax
    _d = setup_inputs()
    print(jax.jit(kernel)(*tuple(_d.values())))

</pallas_src>

<mosaic_0001>
#map = affine_map<(d0, d1) -> (0, 0)>
#map1 = affine_map<(d0, d1) -> (0)>
module attributes {stable_mosaic.version = 14 : i64} {
  func.func @sc_scatter(%arg0: i32, %arg1: i32, %arg2: memref<2048x768xf32, #tpu.memory_space<hbm>>, %arg3: memref<2048xi32, #tpu.memory_space<hbm>>, %arg4: memref<3072x768xf32, #tpu.memory_space<hbm>>, %arg5: memref<64xi32, #tpu.memory_space<vmem>>, %arg6: memref<64x768xf32, #tpu.memory_space<vmem>>, %arg7: memref<!tpu.dma_semaphore, #tpu.memory_space<semaphore_mem>>) attributes {dimension_semantics = [#tpu.dimension_semantics<core_parallel>, #tpu.dimension_semantics<subcore_parallel>], iteration_bounds = array<i64: 2, 16>, scalar_prefetch = 0 : i64, scratch_operands = 3 : i64, tpu.core_type = #tpu.core_type<sc_vector_subcore>, window_params = [{transform_indices = #map}, {transform_indices = #map1}, {transform_indices = #map}]} {
    %mul3A = arith.constant 2 : i32
    %mul3A_0 = arith.muli %arg1, %mul3A : i32
    %add3A = arith.addi %mul3A_0, %arg0 : i32
    %mul3A_1 = arith.constant 64 : i32
    %mul3A_2 = arith.muli %add3A, %mul3A_1 : i32
    "tpu.region"() ({
      %run_scoped3A = tpu.sem_alloc : memref<!tpu.dma_semaphore, #tpu.memory_space<semaphore_mem>>
      %dma_start3A_7 = tpu.memref_slice %arg3[%mul3A_2] : memref<2048xi32, #tpu.memory_space<hbm>> -> memref<64xi32, #tpu.memory_space<hbm>>
      %dma_start3A_8 = tpu.memref_slice %arg3[%mul3A_2] : memref<2048xi32, #tpu.memory_space<hbm>> -> memref<64xi32, #tpu.memory_space<hbm>>
      tpu.enqueue_dma source(%dma_start3A_8 : memref<64xi32, #tpu.memory_space<hbm>>) target(%arg5 : memref<64xi32, #tpu.memory_space<vmem>>) target_semaphore(%run_scoped3A : memref<!tpu.dma_semaphore, #tpu.memory_space<semaphore_mem>>)
      %dma_wait3A_9 = tpu.memref_slice %arg3[%mul3A_2] : memref<2048xi32, #tpu.memory_space<hbm>> -> memref<64xi32, #tpu.memory_space<hbm>>
      %dma_wait3A_10 = tpu.memref_slice %arg3[%mul3A_2] : memref<2048xi32, #tpu.memory_space<hbm>> -> memref<64xi32, #tpu.memory_space<hbm>>
      tpu.wait_dma2 semaphore(%run_scoped3A : memref<!tpu.dma_semaphore, #tpu.memory_space<semaphore_mem>>) src(%dma_wait3A_10 : memref<64xi32, #tpu.memory_space<hbm>>) dst(%arg5 : memref<64xi32, #tpu.memory_space<vmem>>)
      tpu.yield
    }) : () -> ()
    "tpu.region"() ({
      %run_scoped3A = tpu.sem_alloc : memref<!tpu.dma_semaphore, #tpu.memory_space<semaphore_mem>>
      %dma_start3A_7 = arith.constant 0 : i32
      %dma_start3A_8 = tpu.memref_slice %arg2[%mul3A_2, %dma_start3A_7] : memref<2048x768xf32, #tpu.memory_space<hbm>> -> memref<64x768xf32, #tpu.memory_space<hbm>>
      %dma_start3A_9 = arith.constant 0 : i32
      %dma_start3A_10 = tpu.memref_slice %arg2[%mul3A_2, %dma_start3A_9] : memref<2048x768xf32, #tpu.memory_space<hbm>> -> memref<64x768xf32, #tpu.memory_space<hbm>>
      tpu.enqueue_dma source(%dma_start3A_10 : memref<64x768xf32, #tpu.memory_space<hbm>>) target(%arg6 : memref<64x768xf32, #tpu.memory_space<vmem>>) target_semaphore(%run_scoped3A : memref<!tpu.dma_semaphore, #tpu.memory_space<semaphore_mem>>)
      %dma_wait3A_11 = arith.constant 0 : i32
      %dma_wait3A_12 = tpu.memref_slice %arg2[%mul3A_2, %dma_wait3A_11] : memref<2048x768xf32, #tpu.memory_space<hbm>> -> memref<64x768xf32, #tpu.memory_space<hbm>>
      %dma_wait3A_13 = arith.constant 0 : i32
      %dma_wait3A_14 = tpu.memref_slice %arg2[%mul3A_2, %dma_wait3A_13] : memref<2048x768xf32, #tpu.memory_space<hbm>> -> memref<64x768xf32, #tpu.memory_space<hbm>>
      tpu.wait_dma2 semaphore(%run_scoped3A : memref<!tpu.dma_semaphore, #tpu.memory_space<semaphore_mem>>) src(%dma_wait3A_14 : memref<64x768xf32, #tpu.memory_space<hbm>>) dst(%arg6 : memref<64x768xf32, #tpu.memory_space<vmem>>)
      tpu.yield
    }) : () -> ()
    %dma_start3A = arith.constant 0 : i32
    %dma_start3A_3 = arith.constant 0 : i32
    %dma_start3A_4 = tpu.memref_slice %arg4[%dma_start3A, %dma_start3A_3] : memref<3072x768xf32, #tpu.memory_space<hbm>> -> memref<3072x768xf32, #tpu.memory_space<hbm>>
    tpu.enqueue_indirect_dma source(%arg6 : memref<64x768xf32, #tpu.memory_space<vmem>>) target(%dma_start3A_4 : memref<3072x768xf32, #tpu.memory_space<hbm>>) offsets(%arg5 : memref<64xi32, #tpu.memory_space<vmem>>) semaphore(%arg7 : memref<!tpu.dma_semaphore, #tpu.memory_space<semaphore_mem>>)
    %dma_wait3A = arith.constant 0 : i32
    %dma_wait3A_5 = arith.constant 0 : i32
    %dma_wait3A_6 = tpu.memref_slice %arg4[%dma_wait3A, %dma_wait3A_5] : memref<3072x768xf32, #tpu.memory_space<hbm>> -> memref<3072x768xf32, #tpu.memory_space<hbm>>
    tpu.wait_indirect_dma semaphore(%arg7 : memref<!tpu.dma_semaphore, #tpu.memory_space<semaphore_mem>>) src(%arg6 : memref<64x768xf32, #tpu.memory_space<vmem>>) dst(%dma_wait3A_6 : memref<3072x768xf32, #tpu.memory_space<hbm>>)
    return
  }
}

#map = affine_map<(d0, d1) -> (0, 0)>
#map1 = affine_map<(d0, d1) -> (0)>
module attributes {stable_mosaic.version = 14 : i64} {
  func.func @sc_gather(%arg0: i32, %arg1: i32, %arg2: memref<3072x768xf32, #tpu.memory_space<hbm>>, %arg3: memref<2048xi32, #tpu.memory_space<hbm>>, %arg4: memref<2048x768xf32, #tpu.memory_space<hbm>>, %arg5: memref<64xi32, #tpu.memory_space<vmem>>, %arg6: memref<64x768xf32, #tpu.memory_space<vmem>>, %arg7: memref<!tpu.dma_semaphore, #tpu.memory_space<semaphore_mem>>) attributes {dimension_semantics = [#tpu.dimension_semantics<core_parallel>, #tpu.dimension_semantics<subcore_parallel>], iteration_bounds = array<i64: 2, 16>, scalar_prefetch = 0 : i64, scratch_operands = 3 : i64, tpu.core_type = #tpu.core_type<sc_vector_subcore>, window_params = [{transform_indices = #map}, {transform_indices = #map1}, {transform_indices = #map}]} {
    %mul3A = arith.constant 2 : i32
    %mul3A_0 = arith.muli %arg1, %mul3A : i32
    %add3A = arith.addi %mul3A_0, %arg0 : i32
    %mul3A_1 = arith.constant 64 : i32
    %mul3A_2 = arith.muli %add3A, %mul3A_1 : i32
    "tpu.region"() ({
      %run_scoped3A = tpu.sem_alloc : memref<!tpu.dma_semaphore, #tpu.memory_space<semaphore_mem>>
      %dma_start3A_7 = tpu.memref_slice %arg3[%mul3A_2] : memref<2048xi32, #tpu.memory_space<hbm>> -> memref<64xi32, #tpu.memory_space<hbm>>
      %dma_start3A_8 = tpu.memref_slice %arg3[%mul3A_2] : memref<2048xi32, #tpu.memory_space<hbm>> -> memref<64xi32, #tpu.memory_space<hbm>>
      tpu.enqueue_dma source(%dma_start3A_8 : memref<64xi32, #tpu.memory_space<hbm>>) target(%arg5 : memref<64xi32, #tpu.memory_space<vmem>>) target_semaphore(%run_scoped3A : memref<!tpu.dma_semaphore, #tpu.memory_space<semaphore_mem>>)
      %dma_wait3A_9 = tpu.memref_slice %arg3[%mul3A_2] : memref<2048xi32, #tpu.memory_space<hbm>> -> memref<64xi32, #tpu.memory_space<hbm>>
      %dma_wait3A_10 = tpu.memref_slice %arg3[%mul3A_2] : memref<2048xi32, #tpu.memory_space<hbm>> -> memref<64xi32, #tpu.memory_space<hbm>>
      tpu.wait_dma2 semaphore(%run_scoped3A : memref<!tpu.dma_semaphore, #tpu.memory_space<semaphore_mem>>) src(%dma_wait3A_10 : memref<64xi32, #tpu.memory_space<hbm>>) dst(%arg5 : memref<64xi32, #tpu.memory_space<vmem>>)
      tpu.yield
    }) : () -> ()
    %dma_start3A = arith.constant 0 : i32
    %dma_start3A_3 = arith.constant 0 : i32
    %dma_start3A_4 = tpu.memref_slice %arg2[%dma_start3A, %dma_start3A_3] : memref<3072x768xf32, #tpu.memory_space<hbm>> -> memref<3072x768xf32, #tpu.memory_space<hbm>>
    tpu.enqueue_indirect_dma source(%dma_start3A_4 : memref<3072x768xf32, #tpu.memory_space<hbm>>) target(%arg6 : memref<64x768xf32, #tpu.memory_space<vmem>>) offsets(%arg5 : memref<64xi32, #tpu.memory_space<vmem>>) semaphore(%arg7 : memref<!tpu.dma_semaphore, #tpu.memory_space<semaphore_mem>>)
    %dma_wait3A = arith.constant 0 : i32
    %dma_wait3A_5 = arith.constant 0 : i32
    %dma_wait3A_6 = tpu.memref_slice %arg2[%dma_wait3A, %dma_wait3A_5] : memref<3072x768xf32, #tpu.memory_space<hbm>> -> memref<3072x768xf32, #tpu.memory_space<hbm>>
    tpu.wait_indirect_dma semaphore(%arg7 : memref<!tpu.dma_semaphore, #tpu.memory_space<semaphore_mem>>) src(%dma_wait3A_6 : memref<3072x768xf32, #tpu.memory_space<hbm>>) dst(%arg6 : memref<64x768xf32, #tpu.memory_space<vmem>>)
    "tpu.region"() ({
      %run_scoped3A = tpu.sem_alloc : memref<!tpu.dma_semaphore, #tpu.memory_space<semaphore_mem>>
      %dma_start3A_7 = arith.constant 0 : i32
      %dma_start3A_8 = tpu.memref_slice %arg4[%mul3A_2, %dma_start3A_7] : memref<2048x768xf32, #tpu.memory_space<hbm>> -> memref<64x768xf32, #tpu.memory_space<hbm>>
      %dma_start3A_9 = arith.constant 0 : i32
      %dma_start3A_10 = tpu.memref_slice %arg4[%mul3A_2, %dma_start3A_9] : memref<2048x768xf32, #tpu.memory_space<hbm>> -> memref<64x768xf32, #tpu.memory_space<hbm>>
      tpu.enqueue_dma source(%arg6 : memref<64x768xf32, #tpu.memory_space<vmem>>) target(%dma_start3A_10 : memref<64x768xf32, #tpu.memory_space<hbm>>) target_semaphore(%run_scoped3A : memref<!tpu.dma_semaphore, #tpu.memory_space<semaphore_mem>>)
      %dma_wait3A_11 = arith.constant 0 : i32
      %dma_wait3A_12 = tpu.memref_slice %arg4[%mul3A_2, %dma_wait3A_11] : memref<2048x768xf32, #tpu.memory_space<hbm>> -> memref<64x768xf32, #tpu.memory_space<hbm>>
      %dma_wait3A_13 = arith.constant 0 : i32
      %dma_wait3A_14 = tpu.memref_slice %arg4[%mul3A_2, %dma_wait3A_13] : memref<2048x768xf32, #tpu.memory_space<hbm>> -> memref<64x768xf32, #tpu.memory_space<hbm>>
      tpu.wait_dma2 semaphore(%run_scoped3A : memref<!tpu.dma_semaphore, #tpu.memory_space<semaphore_mem>>) src(%arg6 : memref<64x768xf32, #tpu.memory_space<vmem>>) dst(%dma_wait3A_14 : memref<64x768xf32, #tpu.memory_space<hbm>>)
      tpu.yield
    }) : () -> ()
    return
  }
}

module attributes {stable_mosaic.version = 14 : i64} {
  func.func @_router_body(%arg0: memref<2048x8xf32, #tpu.memory_space<vmem>>, %arg1: memref<2048x1xi32, #tpu.memory_space<vmem>>, %arg2: memref<25x1xi32, #tpu.memory_space<vmem>>, %arg3: memref<1x1xf32, #tpu.memory_space<vmem>>, %arg4: memref<2048x8xf32, #tpu.memory_space<vmem>>) attributes {dimension_semantics = [], scalar_prefetch = 0 : i64, scratch_operands = 1 : i64, tpu.core_type = #tpu.core_type<tc>} {
    %get3A = arith.constant 0 : index
    %get3A_0 = arith.constant 0 : index
    %get3A_1 = vector.load %arg0[%get3A, %get3A_0] : memref<2048x8xf32, #tpu.memory_space<vmem>>, vector<2048x8xf32>
    %reduce_max3A = arith.constant dense<0xFF800000> : vector<2048xf32>
    %reduce_max3A_2 = vector.multi_reduction <maximumf>, %get3A_1, %reduce_max3A [1] : vector<2048x8xf32> to vector<2048xf32>
    %broadcast_in_dim3A = vector.shape_cast %reduce_max3A_2 : vector<2048xf32> to vector<2048x1xf32>
    %sub3A = vector.broadcast %broadcast_in_dim3A : vector<2048x1xf32> to vector<2048x8xf32>
    %sub3A_3 = arith.subf %get3A_1, %sub3A : vector<2048x8xf32>
    %exp3A = math.exp %sub3A_3 : vector<2048x8xf32>
    %reduce_sum3A = arith.constant dense<0.000000e+00> : vector<2048xf32>
    %reduce_sum3A_4 = vector.multi_reduction <add>, %exp3A, %reduce_sum3A [1] : vector<2048x8xf32> to vector<2048xf32>
    %broadcast_in_dim3A_5 = vector.shape_cast %reduce_sum3A_4 : vector<2048xf32> to vector<2048x1xf32>
    %div3A = vector.broadcast %broadcast_in_dim3A_5 : vector<2048x1xf32> to vector<2048x8xf32>
    %div3A_6 = arith.divf %exp3A, %div3A : vector<2048x8xf32>
    %reduce_max3A_7 = arith.constant dense<0xFF800000> : vector<2048xf32>
    %reduce_max3A_8 = vector.multi_reduction <maximumf>, %div3A_6, %reduce_max3A_7 [1] : vector<2048x8xf32> to vector<2048xf32>
    %broadcast_in_dim3A_9 = vector.shape_cast %reduce_max3A_8 : vector<2048xf32> to vector<2048x1xf32>
    %eq3A = vector.broadcast %broadcast_in_dim3A_9 : vector<2048x1xf32> to vector<2048x8xf32>
    %eq3A_10 = arith.cmpf oeq, %div3A_6, %eq3A : vector<2048x8xf32>
    %convert_element_type3A = arith.extui %eq3A_10 : vector<2048x8xi1> to vector<2048x8xi32>
    %convert_element_type3A_11 = arith.sitofp %convert_element_type3A : vector<2048x8xi32> to vector<2048x8xf32>
    %iota3A = tpu.iota {dimensions = array<i32: 0>} : vector<8x8xi32>
    %iota3A_12 = tpu.iota {dimensions = array<i32: 1>} : vector<8x8xi32>
    %le3A = arith.cmpi sle, %iota3A, %iota3A_12 : vector<8x8xi32>
    %convert_element_type3A_13 = arith.extui %le3A : vector<8x8xi1> to vector<8x8xi32>
    %convert_element_type3A_14 = arith.sitofp %convert_element_type3A_13 : vector<8x8xi32> to vector<8x8xf32>
    %dot_general3A = arith.constant dense<0.000000e+00> : vector<2048x8xf32>
    %dot_general3A_15 = tpu.matmul %convert_element_type3A_11, %convert_element_type3A_14, %dot_general3A {dimension_numbers = #tpu.dot_dimension_numbers<[1], [0], [0], [1], [0, 0, 1, 1], [], []>, transpose_lhs_hint = false} : vector<2048x8xf32>, vector<8x8xf32>, vector<2048x8xf32> -> vector<2048x8xf32>
    %eq3A_16 = arith.constant 1.000000e+00 : f32
    %eq3A_17 = vector.broadcast %eq3A_16 : f32 to vector<2048x8xf32>
    %eq3A_18 = arith.cmpf oeq, %dot_general3A_15, %eq3A_17 : vector<2048x8xf32>
    %convert_element_type3A_19 = arith.extui %eq3A_18 : vector<2048x8xi1> to vector<2048x8xi32>
    %convert_element_type3A_20 = arith.sitofp %convert_element_type3A_19 : vector<2048x8xi32> to vector<2048x8xf32>
    %mul3A = arith.mulf %convert_element_type3A_11, %convert_element_type3A_20 : vector<2048x8xf32>
    %swap3A = arith.constant 0 : index
    %swap3A_21 = arith.constant 0 : index
    %swap3A_22 = vector.load %arg4[%swap3A, %swap3A_21] : memref<2048x8xf32, #tpu.memory_space<vmem>>, vector<2048x8xf32>
    tpu.vector_store %arg4[%swap3A, %swap3A_21], %mul3A {strides = array<i32>} : memref<2048x8xf32, #tpu.memory_space<vmem>>, vector<2048x8xf32>,
    %reduce_sum3A_23 = arith.constant dense<0.000000e+00> : vector<8xf32>
    %reduce_sum3A_24 = vector.multi_reduction <add>, %mul3A, %reduce_sum3A_23 [0] : vector<2048x8xf32> to vector<8xf32>
    %broadcast_in_dim3A_25 = vector.shape_cast %reduce_sum3A_24 : vector<8xf32> to vector<1x8xf32>
    %reduce_sum3A_26 = arith.constant dense<0.000000e+00> : vector<8xf32>
    %reduce_sum3A_27 = vector.multi_reduction <add>, %div3A_6, %reduce_sum3A_26 [0] : vector<2048x8xf32> to vector<8xf32>
    %broadcast_in_dim3A_28 = vector.shape_cast %reduce_sum3A_27 : vector<8xf32> to vector<1x8xf32>
    %div3A_29 = arith.constant 2.048000e+03 : f32
    %div3A_30 = vector.broadcast %div3A_29 : f32 to vector<1x8xf32>
    %div3A_31 = arith.divf %broadcast_in_dim3A_28, %div3A_30 : vector<1x8xf32>
    %div3A_32 = arith.constant 2.048000e+03 : f32
    %div3A_33 = vector.broadcast %div3A_32 : f32 to vector<1x8xf32>
    %div3A_34 = arith.divf %broadcast_in_dim3A_25, %div3A_33 : vector<1x8xf32>
    %mul3A_35 = arith.mulf %div3A_34, %div3A_31 : vector<1x8xf32>
    %reduce_sum3A_36 = vector.shape_cast %mul3A_35 : vector<1x8xf32> to vector<1x1x8xf32>
    %reduce_sum3A_37 = arith.constant dense<0.000000e+00> : vector<1xf32>
    %reduce_sum3A_38 = vector.multi_reduction <add>, %reduce_sum3A_36, %reduce_sum3A_37 [1, 2] : vector<1x1x8xf32> to vector<1xf32>
    %reduce_sum3A_39 = vector.shape_cast %reduce_sum3A_38 : vector<1xf32> to vector<1x1x1xf32>
    %reduce_sum3A_40 = vector.extract %reduce_sum3A_39[0, 0, 0] : f32 from vector<1x1x1xf32>
    %broadcast_in_dim3A_41 = vector.broadcast %reduce_sum3A_40 : f32 to vector<1x1xf32>
    %mul3A_42 = arith.constant 8.000000e+00 : f32
    %mul3A_43 = vector.broadcast %mul3A_42 : f32 to vector<1x1xf32>
    %mul3A_44 = arith.mulf %mul3A_43, %broadcast_in_dim3A_41 : vector<1x1xf32>
    %swap3A_45 = arith.constant 0 : index
    %swap3A_46 = arith.constant 0 : index
    %swap3A_47 = vector.load %arg3[%swap3A_45, %swap3A_46] : memref<1x1xf32, #tpu.memory_space<vmem>>, vector<1x1xf32>
    tpu.vector_store %arg3[%swap3A_45, %swap3A_46], %mul3A_44 {strides = array<i32>} : memref<1x1xf32, #tpu.memory_space<vmem>>, vector<1x1xf32>,
    %iota3A_48 = tpu.iota {dimensions = array<i32: 0>} : vector<128x128xi32>
    %iota3A_49 = tpu.iota {dimensions = array<i32: 1>} : vector<128x128xi32>
    %ge3A = arith.cmpi sge, %iota3A_48, %iota3A_49 : vector<128x128xi32>
    %convert_element_type3A_50 = arith.extui %ge3A : vector<128x128xi1> to vector<128x128xi32>
    %convert_element_type3A_51 = arith.sitofp %convert_element_type3A_50 : vector<128x128xi32> to vector<128x128xf32>
    %broadcast_in_dim3A_52 = arith.constant 0.000000e+00 : f32
    %broadcast_in_dim3A_53 = vector.broadcast %broadcast_in_dim3A_52 : f32 to vector<1x8xf32>
    %scan3A = arith.constant 0 : i32
    %scan3A_54 = arith.constant 16 : i32
    %scan3A_55 = arith.addi %scan3A, %scan3A_54 : i32
    %scan3A_56 = arith.constant 1 : i32
    %scan3A_57 = scf.for %scan3A_107 = %scan3A to %scan3A_55 step %scan3A_56 iter_args(%scan3A_108 = %broadcast_in_dim3A_53) -> (vector<1x8xf32>)  : i32 {
      %mul3A_109 = arith.constant 128 : i32
      %mul3A_110 = arith.muli %scan3A_107, %mul3A_109 : i32
      %get3A_111 = arith.index_cast %mul3A_110 : i32 to index
      %get3A_112 = arith.constant 0 : index
      %get3A_113 = vector.load %arg4[%get3A_111, %get3A_112] : memref<2048x8xf32, #tpu.memory_space<vmem>>, vector<128x8xf32>
      %dot_general3A_114 = arith.constant dense<0.000000e+00> : vector<128x8xf32>
      %dot_general3A_115 = tpu.matmul %convert_element_type3A_51, %get3A_113, %dot_general3A_114 {dimension_numbers = #tpu.dot_dimension_numbers<[1], [0], [0], [1], [0, 0, 1, 1], [], []>, transpose_lhs_hint = false} : vector<128x128xf32>, vector<128x8xf32>, vector<128x8xf32> -> vector<128x8xf32>
      %add3A_116 = vector.broadcast %scan3A_108 : vector<1x8xf32> to vector<128x8xf32>
      %add3A_117 = arith.addf %dot_general3A_115, %add3A_116 : vector<128x8xf32>
      %mul3A_118 = arith.constant 128 : i32
      %mul3A_119 = arith.muli %scan3A_107, %mul3A_118 : i32
      %swap3A_120 = arith.index_cast %mul3A_119 : i32 to index
      %swap3A_121 = arith.constant 0 : index
      %swap3A_122 = vector.load %arg4[%swap3A_120, %swap3A_121] : memref<2048x8xf32, #tpu.memory_space<vmem>>, vector<128x8xf32>
      tpu.vector_store %arg4[%swap3A_120, %swap3A_121], %add3A_117 {strides = array<i32>} : memref<2048x8xf32, #tpu.memory_space<vmem>>, vector<128x8xf32>,
      %slice3A_123 = vector.extract_strided_slice %add3A_117 {offsets = [127, 0], sizes = [1, 8], strides = [1, 1]} : vector<128x8xf32> to vector<1x8xf32>
      scf.yield %slice3A_123 : vector<1x8xf32>
    }
    %scan3A_58 = arith.constant 16 : i32
    %get3A_59 = arith.constant 0 : index
    %get3A_60 = arith.constant 0 : index
    %get3A_61 = vector.load %arg4[%get3A_59, %get3A_60] : memref<2048x8xf32, #tpu.memory_space<vmem>>, vector<2048x8xf32>
    %div3A_62 = arith.constant 1.280000e+02 : f32
    %div3A_63 = vector.broadcast %div3A_62 : f32 to vector<1x8xf32>
    %div3A_64 = arith.divf %broadcast_in_dim3A_25, %div3A_63 : vector<1x8xf32>
    %ceil3A = math.ceil %div3A_64 : vector<1x8xf32>
    %mul3A_65 = arith.constant 1.280000e+02 : f32
    %mul3A_66 = vector.broadcast %mul3A_65 : f32 to vector<1x8xf32>
    %mul3A_67 = arith.mulf %ceil3A, %mul3A_66 : vector<1x8xf32>
    %dot_general3A_68 = arith.constant dense<0.000000e+00> : vector<1x8xf32>
    %dot_general3A_69 = tpu.matmul %mul3A_67, %convert_element_type3A_14, %dot_general3A_68 {dimension_numbers = #tpu.dot_dimension_numbers<[1], [0], [0], [1], [0, 0, 1, 1], [], []>, transpose_lhs_hint = false} : vector<1x8xf32>, vector<8x8xf32>, vector<1x8xf32> -> vector<1x8xf32>
    %sub3A_70 = arith.subf %dot_general3A_69, %mul3A_67 : vector<1x8xf32>
    %add3A = vector.broadcast %sub3A_70 : vector<1x8xf32> to vector<2048x8xf32>
    %add3A_71 = arith.addf %get3A_61, %add3A : vector<2048x8xf32>
    %sub3A_72 = arith.constant 1.000000e+00 : f32
    %sub3A_73 = vector.broadcast %sub3A_72 : f32 to vector<2048x8xf32>
    %sub3A_74 = arith.subf %add3A_71, %sub3A_73 : vector<2048x8xf32>
    %mul3A_75 = arith.mulf %mul3A, %sub3A_74 : vector<2048x8xf32>
    %reduce_sum3A_76 = arith.constant dense<0.000000e+00> : vector<2048xf32>
    %reduce_sum3A_77 = vector.multi_reduction <add>, %mul3A_75, %reduce_sum3A_76 [1] : vector<2048x8xf32> to vector<2048xf32>
    %broadcast_in_dim3A_78 = vector.shape_cast %reduce_sum3A_77 : vector<2048xf32> to vector<2048x1xf32>
    %convert_element_type3A_79 = arith.fptosi %broadcast_in_dim3A_78 : vector<2048x1xf32> to vector<2048x1xi32>
    %swap3A_80 = arith.constant 0 : index
    %swap3A_81 = arith.constant 0 : index
    %swap3A_82 = vector.load %arg1[%swap3A_80, %swap3A_81] : memref<2048x1xi32, #tpu.memory_space<vmem>>, vector<2048x1xi32>
    tpu.vector_store %arg1[%swap3A_80, %swap3A_81], %convert_element_type3A_79 {strides = array<i32>} : memref<2048x1xi32, #tpu.memory_space<vmem>>, vector<2048x1xi32>,
    %iota3A_83 = tpu.iota {dimensions = array<i32: 0>} : vector<24x1xi32>
    %convert_element_type3A_84 = arith.sitofp %iota3A_83 : vector<24x1xi32> to vector<24x1xf32>
    %mul3A_85 = arith.constant 1.280000e+02 : f32
    %mul3A_86 = vector.broadcast %mul3A_85 : f32 to vector<24x1xf32>
    %mul3A_87 = arith.mulf %convert_element_type3A_84, %mul3A_86 : vector<24x1xf32>
    %broadcast_in_dim3A_88 = vector.shape_cast %dot_general3A_69 : vector<1x8xf32> to vector<1x8xf32>
    %broadcast_in_dim3A_89 = vector.broadcast %broadcast_in_dim3A_88 : vector<1x8xf32> to vector<24x8xf32>
    %le3A_90 = vector.broadcast %mul3A_87 : vector<24x1xf32> to vector<24x8xf32>
    %le3A_91 = arith.cmpf ole, %broadcast_in_dim3A_89, %le3A_90 : vector<24x8xf32>
    %convert_element_type3A_92 = arith.extui %le3A_91 : vector<24x8xi1> to vector<24x8xi32>
    %convert_element_type3A_93 = arith.sitofp %convert_element_type3A_92 : vector<24x8xi32> to vector<24x8xf32>
    %reduce_sum3A_94 = arith.constant dense<0.000000e+00> : vector<24xf32>
    %reduce_sum3A_95 = vector.multi_reduction <add>, %convert_element_type3A_93, %reduce_sum3A_94 [1] : vector<24x8xf32> to vector<24xf32>
    %broadcast_in_dim3A_96 = vector.shape_cast %reduce_sum3A_95 : vector<24xf32> to vector<24x1xf32>
    %jit3A = arith.constant 0.000000e+00 : f32
    %jit3A_97 = arith.constant 7.000000e+00 : f32
    %max3A = vector.broadcast %jit3A : f32 to vector<24x1xf32>
    %max3A_98 = arith.maximumf %max3A, %broadcast_in_dim3A_96 : vector<24x1xf32>
    %min3A = vector.broadcast %jit3A_97 : f32 to vector<24x1xf32>
    %min3A_99 = arith.minimumf %min3A, %max3A_98 : vector<24x1xf32>
    %slice3A = vector.extract_strided_slice %dot_general3A_69 {offsets = [0, 7], sizes = [1, 1], strides = [1, 1]} : vector<1x8xf32> to vector<1x1xf32>
    %div3A_100 = arith.constant 1.280000e+02 : f32
    %div3A_101 = vector.broadcast %div3A_100 : f32 to vector<1x1xf32>
    %div3A_102 = arith.divf %slice3A, %div3A_101 : vector<1x1xf32>
    %concatenate3A = tpu.concatenate %min3A_99, %div3A_102 in 0 : vector<24x1xf32>, vector<1x1xf32> -> vector<25x1xf32>
    %convert_element_type3A_103 = arith.fptosi %concatenate3A : vector<25x1xf32> to vector<25x1xi32>
    %swap3A_104 = arith.constant 0 : index
    %swap3A_105 = arith.constant 0 : index
    %swap3A_106 = vector.load %arg2[%swap3A_104, %swap3A_105] : memref<25x1xi32, #tpu.memory_space<vmem>>, vector<25x1xi32>
    tpu.vector_store %arg2[%swap3A_104, %swap3A_105], %convert_element_type3A_103 {strides = array<i32>} : memref<25x1xi32, #tpu.memory_space<vmem>>, vector<25x1xi32>,
    return
  }
}

module attributes {stable_mosaic.version = 14 : i64} {
  func.func @_ffn_body(%arg0: i32, %arg1: memref<25xi32, #tpu.memory_space<smem>>, %arg2: memref<128x768xf32, #tpu.memory_space<vmem>>, %arg3: memref<1x768x2048xf32, #tpu.memory_space<vmem>>, %arg4: memref<1x2048x768xf32, #tpu.memory_space<vmem>>, %arg5: memref<128x768xf32, #tpu.memory_space<vmem>>, %arg6: memref<768x2048xf32, #tpu.memory_space<vmem>>, %arg7: memref<2048x768xf32, #tpu.memory_space<vmem>>) attributes {dimension_semantics = [#tpu.dimension_semantics<arbitrary>], iteration_bounds = array<i64: 24>, scalar_prefetch = 1 : i64, scratch_operands = 2 : i64, tpu.core_type = #tpu.core_type<tc>, window_params = [{transform_indices = @transform_0, window_bounds = array<i64: 128, 768>}, {transform_indices = @transform_1, window_bounds = array<i64: 1, 768, 2048>}, {transform_indices = @transform_2, window_bounds = array<i64: 1, 2048, 768>}, {transform_indices = @transform_3, window_bounds = array<i64: 128, 768>}]} {
    %get3A = arith.constant 24 : index
    %get3A_0 = memref.load %arg1[%get3A] : memref<25xi32, #tpu.memory_space<smem>>
    %lt3A = arith.cmpi slt, %arg0, %get3A_0 : i32
    %convert_element_type3A = arith.extui %lt3A : i1 to i32
    %cond3A = arith.constant 0 : i32
    %cond3A_1 = arith.cmpi ne, %convert_element_type3A, %cond3A : i32
    scf.if %cond3A_1 {
      %get3A_2 = arith.index_cast %arg0 : i32 to index
      %get3A_3 = memref.load %arg1[%get3A_2] : memref<25xi32, #tpu.memory_space<smem>>
      %sub3A = arith.constant 1 : i32
      %sub3A_4 = arith.subi %arg0, %sub3A : i32
      %max3A = arith.constant 0 : i32
      %max3A_5 = arith.maxsi %sub3A_4, %max3A : i32
      %get3A_6 = arith.index_cast %max3A_5 : i32 to index
      %get3A_7 = memref.load %arg1[%get3A_6] : memref<25xi32, #tpu.memory_space<smem>>
      %eq3A = arith.constant 0 : i32
      %eq3A_8 = arith.cmpi eq, %arg0, %eq3A : i32
      %ne3A = arith.cmpi ne, %get3A_3, %get3A_7 : i32
      %or3A = arith.ori %eq3A_8, %ne3A : i1
      %convert_element_type3A_9 = arith.extui %or3A : i1 to i32
      %cond3A_10 = arith.constant 0 : i32
      %cond3A_11 = arith.cmpi ne, %convert_element_type3A_9, %cond3A_10 : i32
      scf.if %cond3A_11 {
        %get3A_75 = arith.constant 0 : index
        %get3A_76 = arith.constant 0 : index
        %get3A_77 = arith.constant 0 : index
        %get3A_78 = vector.load %arg3[%get3A_75, %get3A_76, %get3A_77] : memref<1x768x2048xf32, #tpu.memory_space<vmem>>, vector<1x768x2048xf32>
        %get3A_79 = vector.shape_cast %get3A_78 : vector<1x768x2048xf32> to vector<768x2048xf32>
        %abs3A_80 = math.absf %get3A_79 : vector<768x2048xf32>
        %reduce_sum3A = vector.shape_cast %abs3A_80 : vector<768x2048xf32> to vector<1x768x2048xf32>
        %reduce_sum3A_81 = arith.constant dense<0.000000e+00> : vector<1xf32>
        %reduce_sum3A_82 = vector.multi_reduction <add>, %reduce_sum3A, %reduce_sum3A_81 [1, 2] : vector<1x768x2048xf32> to vector<1xf32>
        %reduce_sum3A_83 = vector.shape_cast %reduce_sum3A_82 : vector<1xf32> to vector<1x1x1xf32>
        %reduce_sum3A_84 = vector.extract %reduce_sum3A_83[0, 0, 0] : f32 from vector<1x1x1xf32>
        %mul3A_85 = arith.constant 6.35782897E-7 : f32
        %mul3A_86 = arith.mulf %reduce_sum3A_84, %mul3A_85 : f32
        %jit3A_87 = arith.constant 9.99999974E-6 : f32
        %max3A_88 = arith.maximumf %jit3A_87, %mul3A_86 : f32
        %div3A_89 = arith.constant 1.000000e+00 : f32
        %div3A_90 = arith.divf %div3A_89, %max3A_88 : f32
        %mul3A_91 = vector.broadcast %div3A_90 : f32 to vector<768x2048xf32>
        %mul3A_92 = arith.mulf %get3A_79, %mul3A_91 : vector<768x2048xf32>
        %round3A_93 = math.roundeven %mul3A_92 : vector<768x2048xf32>
        %jit3A_94 = arith.constant -1.000000e+00 : f32
        %jit3A_95 = arith.constant 1.000000e+00 : f32
        %max3A_96 = vector.broadcast %jit3A_94 : f32 to vector<768x2048xf32>
        %max3A_97 = arith.maximumf %max3A_96, %round3A_93 : vector<768x2048xf32>
        %min3A_98 = vector.broadcast %jit3A_95 : f32 to vector<768x2048xf32>
        %min3A_99 = arith.minimumf %min3A_98, %max3A_97 : vector<768x2048xf32>
        %div3A_100 = vector.broadcast %div3A_90 : f32 to vector<768x2048xf32>
        %div3A_101 = arith.divf %min3A_99, %div3A_100 : vector<768x2048xf32>
        %swap3A_102 = arith.constant 0 : index
        %swap3A_103 = arith.constant 0 : index
        %swap3A_104 = vector.load %arg6[%swap3A_102, %swap3A_103] : memref<768x2048xf32, #tpu.memory_space<vmem>>, vector<768x2048xf32>
        tpu.vector_store %arg6[%swap3A_102, %swap3A_103], %div3A_101 {strides = array<i32>} : memref<768x2048xf32, #tpu.memory_space<vmem>>, vector<768x2048xf32>,
        %get3A_105 = arith.constant 0 : index
        %get3A_106 = arith.constant 0 : index
        %get3A_107 = arith.constant 0 : index
        %get3A_108 = vector.load %arg4[%get3A_105, %get3A_106, %get3A_107] : memref<1x2048x768xf32, #tpu.memory_space<vmem>>, vector<1x2048x768xf32>
        %get3A_109 = vector.shape_cast %get3A_108 : vector<1x2048x768xf32> to vector<2048x768xf32>
        %abs3A_110 = math.absf %get3A_109 : vector<2048x768xf32>
        %reduce_sum3A_111 = vector.shape_cast %abs3A_110 : vector<2048x768xf32> to vector<1x2048x768xf32>
        %reduce_sum3A_112 = arith.constant dense<0.000000e+00> : vector<1xf32>
        %reduce_sum3A_113 = vector.multi_reduction <add>, %reduce_sum3A_111, %reduce_sum3A_112 [1, 2] : vector<1x2048x768xf32> to vector<1xf32>
        %reduce_sum3A_114 = vector.shape_cast %reduce_sum3A_113 : vector<1xf32> to vector<1x1x1xf32>
        %reduce_sum3A_115 = vector.extract %reduce_sum3A_114[0, 0, 0] : f32 from vector<1x1x1xf32>
        %mul3A_116 = arith.constant 6.35782897E-7 : f32
        %mul3A_117 = arith.mulf %reduce_sum3A_115, %mul3A_116 : f32
        %jit3A_118 = arith.constant 9.99999974E-6 : f32
        %max3A_119 = arith.maximumf %jit3A_118, %mul3A_117 : f32
        %div3A_120 = arith.constant 1.000000e+00 : f32
        %div3A_121 = arith.divf %div3A_120, %max3A_119 : f32
        %mul3A_122 = vector.broadcast %div3A_121 : f32 to vector<2048x768xf32>
        %mul3A_123 = arith.mulf %get3A_109, %mul3A_122 : vector<2048x768xf32>
        %round3A_124 = math.roundeven %mul3A_123 : vector<2048x768xf32>
        %jit3A_125 = arith.constant -1.000000e+00 : f32
        %jit3A_126 = arith.constant 1.000000e+00 : f32
        %max3A_127 = vector.broadcast %jit3A_125 : f32 to vector<2048x768xf32>
        %max3A_128 = arith.maximumf %max3A_127, %round3A_124 : vector<2048x768xf32>
        %min3A_129 = vector.broadcast %jit3A_126 : f32 to vector<2048x768xf32>
        %min3A_130 = arith.minimumf %min3A_129, %max3A_128 : vector<2048x768xf32>
        %div3A_131 = vector.broadcast %div3A_121 : f32 to vector<2048x768xf32>
        %div3A_132 = arith.divf %min3A_130, %div3A_131 : vector<2048x768xf32>
        %swap3A_133 = arith.constant 0 : index
        %swap3A_134 = arith.constant 0 : index
        %swap3A_135 = vector.load %arg7[%swap3A_133, %swap3A_134] : memref<2048x768xf32, #tpu.memory_space<vmem>>, vector<2048x768xf32>
        tpu.vector_store %arg7[%swap3A_133, %swap3A_134], %div3A_132 {strides = array<i32>} : memref<2048x768xf32, #tpu.memory_space<vmem>>, vector<2048x768xf32>,
      } else {
      }
      %get3A_12 = arith.constant 0 : index
      %get3A_13 = arith.constant 0 : index
      %get3A_14 = vector.load %arg2[%get3A_12, %get3A_13] : memref<128x768xf32, #tpu.memory_space<vmem>>, vector<128x768xf32>
      %abs3A = math.absf %get3A_14 : vector<128x768xf32>
      %reduce_max3A = arith.constant dense<0xFF800000> : vector<128xf32>
      %reduce_max3A_15 = vector.multi_reduction <maximumf>, %abs3A, %reduce_max3A [1] : vector<128x768xf32> to vector<128xf32>
      %broadcast_in_dim3A = vector.shape_cast %reduce_max3A_15 : vector<128xf32> to vector<128x1xf32>
      %jit3A = arith.constant 9.99999974E-6 : f32
      %max3A_16 = vector.broadcast %jit3A : f32 to vector<128x1xf32>
      %max3A_17 = arith.maximumf %max3A_16, %broadcast_in_dim3A : vector<128x1xf32>
      %div3A = arith.constant 1.270000e+02 : f32
      %div3A_18 = vector.broadcast %div3A : f32 to vector<128x1xf32>
      %div3A_19 = arith.divf %div3A_18, %max3A_17 : vector<128x1xf32>
      %mul3A = vector.broadcast %div3A_19 : vector<128x1xf32> to vector<128x768xf32>
      %mul3A_20 = arith.mulf %get3A_14, %mul3A : vector<128x768xf32>
      %round3A = math.roundeven %mul3A_20 : vector<128x768xf32>
      %jit3A_21 = arith.constant -1.280000e+02 : f32
      %jit3A_22 = arith.constant 1.270000e+02 : f32
      %max3A_23 = vector.broadcast %jit3A_21 : f32 to vector<128x768xf32>
      %max3A_24 = arith.maximumf %max3A_23, %round3A : vector<128x768xf32>
      %min3A = vector.broadcast %jit3A_22 : f32 to vector<128x768xf32>
      %min3A_25 = arith.minimumf %min3A, %max3A_24 : vector<128x768xf32>
      %div3A_26 = vector.broadcast %div3A_19 : vector<128x1xf32> to vector<128x768xf32>
      %div3A_27 = arith.divf %min3A_25, %div3A_26 : vector<128x768xf32>
      %get3A_28 = arith.constant 0 : index
      %get3A_29 = arith.constant 0 : index
      %get3A_30 = vector.load %arg6[%get3A_28, %get3A_29] : memref<768x2048xf32, #tpu.memory_space<vmem>>, vector<768x2048xf32>
      %dot_general3A = arith.constant dense<0.000000e+00> : vector<128x2048xf32>
      %dot_general3A_31 = tpu.matmul %div3A_27, %get3A_30, %dot_general3A {dimension_numbers = #tpu.dot_dimension_numbers<[1], [0], [0], [1], [0, 0, 1, 1], [], []>, transpose_lhs_hint = false} : vector<128x768xf32>, vector<768x2048xf32>, vector<128x2048xf32> -> vector<128x2048xf32>
      %mul3A_32 = arith.constant 5.000000e-01 : f32
      %mul3A_33 = vector.broadcast %mul3A_32 : f32 to vector<128x2048xf32>
      %mul3A_34 = arith.mulf %mul3A_33, %dot_general3A_31 : vector<128x2048xf32>
      %mul3A_35 = arith.constant 4.471500e-02 : f32
      %mul3A_36 = vector.broadcast %mul3A_35 : f32 to vector<128x2048xf32>
      %mul3A_37 = arith.mulf %mul3A_36, %dot_general3A_31 : vector<128x2048xf32>
      %mul3A_38 = arith.mulf %mul3A_37, %dot_general3A_31 : vector<128x2048xf32>
      %mul3A_39 = arith.mulf %mul3A_38, %dot_general3A_31 : vector<128x2048xf32>
      %add3A = arith.addf %dot_general3A_31, %mul3A_39 : vector<128x2048xf32>
      %mul3A_40 = arith.constant 0.797884583 : f32
      %mul3A_41 = vector.broadcast %mul3A_40 : f32 to vector<128x2048xf32>
      %mul3A_42 = arith.mulf %mul3A_41, %add3A : vector<128x2048xf32>
      %tanh3A = math.tanh %mul3A_42 : vector<128x2048xf32>
      %add3A_43 = arith.constant 1.000000e+00 : f32
      %add3A_44 = vector.broadcast %add3A_43 : f32 to vector<128x2048xf32>
      %add3A_45 = arith.addf %add3A_44, %tanh3A : vector<128x2048xf32>
      %mul3A_46 = arith.mulf %mul3A_34, %add3A_45 : vector<128x2048xf32>
      %abs3A_47 = math.absf %mul3A_46 : vector<128x2048xf32>
      %reduce_max3A_48 = arith.constant dense<0xFF800000> : vector<128xf32>
      %reduce_max3A_49 = vector.multi_reduction <maximumf>, %abs3A_47, %reduce_max3A_48 [1] : vector<128x2048xf32> to vector<128xf32>
      %broadcast_in_dim3A_50 = vector.shape_cast %reduce_max3A_49 : vector<128xf32> to vector<128x1xf32>
      %jit3A_51 = arith.constant 9.99999974E-6 : f32
      %max3A_52 = vector.broadcast %jit3A_51 : f32 to vector<128x1xf32>
      %max3A_53 = arith.maximumf %max3A_52, %broadcast_in_dim3A_50 : vector<128x1xf32>
      %div3A_54 = arith.constant 1.270000e+02 : f32
      %div3A_55 = vector.broadcast %div3A_54 : f32 to vector<128x1xf32>
      %div3A_56 = arith.divf %div3A_55, %max3A_53 : vector<128x1xf32>
      %mul3A_57 = vector.broadcast %div3A_56 : vector<128x1xf32> to vector<128x2048xf32>
      %mul3A_58 = arith.mulf %mul3A_46, %mul3A_57 : vector<128x2048xf32>
      %round3A_59 = math.roundeven %mul3A_58 : vector<128x2048xf32>
      %jit3A_60 = arith.constant -1.280000e+02 : f32
      %jit3A_61 = arith.constant 1.270000e+02 : f32
      %max3A_62 = vector.broadcast %jit3A_60 : f32 to vector<128x2048xf32>
      %max3A_63 = arith.maximumf %max3A_62, %round3A_59 : vector<128x2048xf32>
      %min3A_64 = vector.broadcast %jit3A_61 : f32 to vector<128x2048xf32>
      %min3A_65 = arith.minimumf %min3A_64, %max3A_63 : vector<128x2048xf32>
      %div3A_66 = vector.broadcast %div3A_56 : vector<128x1xf32> to vector<128x2048xf32>
      %div3A_67 = arith.divf %min3A_65, %div3A_66 : vector<128x2048xf32>
      %get3A_68 = arith.constant 0 : index
      %get3A_69 = arith.constant 0 : index
      %get3A_70 = vector.load %arg7[%get3A_68, %get3A_69] : memref<2048x768xf32, #tpu.memory_space<vmem>>, vector<2048x768xf32>
      %dot_general3A_71 = arith.constant dense<0.000000e+00> : vector<128x768xf32>
      %dot_general3A_72 = tpu.matmul %div3A_67, %get3A_70, %dot_general3A_71 {dimension_numbers = #tpu.dot_dimension_numbers<[1], [0], [0], [1], [0, 0, 1, 1], [], []>, transpose_lhs_hint = false} : vector<128x2048xf32>, vector<2048x768xf32>, vector<128x768xf32> -> vector<128x768xf32>
      %swap3A = arith.constant 0 : index
      %swap3A_73 = arith.constant 0 : index
      %swap3A_74 = vector.load %arg5[%swap3A, %swap3A_73] : memref<128x768xf32, #tpu.memory_space<vmem>>, vector<128x768xf32>
      tpu.vector_store %arg5[%swap3A, %swap3A_73], %dot_general3A_72 {strides = array<i32>} : memref<128x768xf32, #tpu.memory_space<vmem>>, vector<128x768xf32>,
    } else {
    }
    return
  }
  func.func @transform_0(%arg0: i32, %arg1: memref<25xi32, #tpu.memory_space<smem>>) -> (i32, i32) {
    %c0_i32 = arith.constant 0 : i32
    %c0_i32_0 = arith.constant 0 : i32
    return %arg0, %c0_i32 : i32, i32
  }
  func.func @transform_1(%arg0: i32, %arg1: memref<25xi32, #tpu.memory_space<smem>>) -> (i32, i32, i32) {
    %get3A = arith.index_cast %arg0 : i32 to index
    %get3A_0 = memref.load %arg1[%get3A] : memref<25xi32, #tpu.memory_space<smem>>
    %c0_i32 = arith.constant 0 : i32
    %c0_i32_1 = arith.constant 0 : i32
    %c0_i32_2 = arith.constant 0 : i32
    return %get3A_0, %c0_i32, %c0_i32_1 : i32, i32, i32
  }
  func.func @transform_2(%arg0: i32, %arg1: memref<25xi32, #tpu.memory_space<smem>>) -> (i32, i32, i32) {
    %get3A = arith.index_cast %arg0 : i32 to index
    %get3A_0 = memref.load %arg1[%get3A] : memref<25xi32, #tpu.memory_space<smem>>
    %c0_i32 = arith.constant 0 : i32
    %c0_i32_1 = arith.constant 0 : i32
    %c0_i32_2 = arith.constant 0 : i32
    return %get3A_0, %c0_i32, %c0_i32_1 : i32, i32, i32
  }
  func.func @transform_3(%arg0: i32, %arg1: memref<25xi32, #tpu.memory_space<smem>>) -> (i32, i32) {
    %c0_i32 = arith.constant 0 : i32
    %c0_i32_0 = arith.constant 0 : i32
    return %arg0, %c0_i32 : i32, i32
  }
}

</mosaic_0001>

<sc_bundles>
// kernel: kernel.6.cloned.1.call-start
scs
__scs_entry_jumppad:
0x0: {  	(pc) =	sbr.rel $0x88, $3  }
0x1: {  	(tag) =	ssettag $0x0;
	lr =	simm.s32 $0x1  }
0x2: {  	[smem:$0x3F9D] =	sst lr;
	_ =	strace $0xD0000000  }
0x3: {  	_ = 	snop  }
0x4: {  	_ = 	snop  }
0x5: {  	_ = 	snop  }
0x6: {  	_ = 	snop  }
0x7: {  	_ = 	snop  }
__scs_overlays_trampoline_lowered:
0x8: {  	[smem:$0x3FAC] =	sst s0  }
0x9: {  	[smem:$0x3FAD] =	sst s1  }
0xa: {  	[smem:$0x3FAE] =	sst s2  }
0xb: {  	[smem:$0x3FAF] =	sst s3  }
0xc: {  	[smem:$0x3FB0] =	sst s4  }
0xd: {  	[smem:$0x3FB1] =	sst s5  }
0xe: {  	[smem:$0x3FB2] =	sst s6  }
0xf: {  	[smem:$0x3FB3] =	sst s7  }
0x10: {  	[smem:$0x3FB4] =	sst s8  }
0x11: {  	[smem:$0x3FB5] =	sst s9;
	s0 =	simm.s32 @!p0 $0x0  }
0x12: {  	s1 =	sld [smem:$0x3F9B];
	s0 =	simm.s32 @p0 $0x1  }
0x13: {  	[smem:$0x3FB6] =	sst s0;
	s0 =	simm.s32 @!p1 $0x0  }
0x14: {  	s2 =	sld [smem:$0x3F9A];
	s0 =	simm.s32 @p1 $0x1  }
0x15: {  	[smem:$0x3FB7] =	sst s0;
	s0 =	simm.s32 @!p2 $0x0  }
0x16: {  	s3 =	sld [smem:$0x3FDB];
	s0 =	simm.s32 @p2 $0x1  }
0x17: {  	s4 =	simm.s32 $0x1BF5;
	[smem:$0x3FB9] =	sst s0  }
0x18: {  	s0 =	sld [smem:$0x3F9C];
	_ =	swait.ge [sflag:s4], $0x0  }
0x19: {  	s7 =	sld [smem:$0x3F9D]  }
0x1a: {  	s8 =	sadd.s32 $0xFFFFE003, lr  }
0x1b: {  	s9 =	sadd.s32 $0xFFFFFEF7, lr;
	s5 =	simm.s32 $0xFFFFFFFF;
	p2 =	slt.u32 s8, $0xFFFFF086  }
0x1c: {  	p1 =	slt.u32 s9, $0xF7A;
	s5 =	simm.s32 @!p2 $0x0  }
0x1d: {  	s5 =	simm.s32 @p1 $0x1;
	p0 =	seq.s32 s7, s2  }
0x1e: {  	s7 =	smul.u32 @!p0 $0xF7A, s2;
	p2 =	seq.s32 @!p0 s5, $0x0  }
0x1f: {  	s9 =	smul.u32 $0xF7A, s1;
	s8 =	simm.s32 @!p0 $0x1BF5;
	p2 =	por !p2, p0  }
0x20: {  	[sflag:s8] =	ssyncset.s32 @!p0 $0xFFFFF086;
	s6 =	sadd.s32 @!p0 s3, s7;
	s7 =	simm.s32 @!p0 $0x108  }
0x21: {  	s3 =	sadd.s32 s3, s9;
	s6 =	sadd.s32 @!p0 $0x88, s6;
	s7 =	simm.s32 @p2 $0x1082  }
0x22: {  	[simem:s7], [sflag:s8] =	dma.local @!p0 [hbm:s6], $0xF7A  }
0x23: {  	s9 =	sor.u32 $0xD0000000, s2;
	s6 =	simm.s32 $0x108;
	_ =	swait.ge @!p0 [sflag:s8], $0x0  }
0x24: {  	s3 =	sadd.s32 $0x88, s3;
	s6 =	simm.s32 @!p1 $0x1082;
	[sflag:s4] =	ssyncset.s32 $0xFFFFF086  }
0x25: {  	[simem:s6], [sflag:s4] =	dma.local [hbm:s3], $0xF7A  }
0x26: {  	[smem:$0x3F9D] =	sst s1;
	(tag) =	ssettag s2;
	_ =	strace s9  }
0x27: {  	s1 =	sld [smem:$0x3FAD]  }
0x28: {  	s2 =	sld [smem:$0x3FAE]  }
0x29: {  	s4 =	sld [smem:$0x3FB0]  }
0x2a: {  	p0 =	seq.s32 s5, $0x0;
	s5 =	sld [smem:$0x3FB1]  }
0x2b: {  	s6 =	sld [smem:$0x3FB2]  }
0x2c: {  	s7 =	sld [smem:$0x3FB3]  }
0x2d: {  	s3 =	simm.s32 $0x108;
	s8 =	sld [smem:$0x3FB4]  }
0x2e: {  	s3 =	simm.s32 @!p0 $0x1082;
	s9 =	sld [smem:$0x3FB5]  }
0x2f: {  	lr =	sadd.s32 s0, s3;
	s0 =	sld [smem:$0x3FAC]  }
0x30: {  	s3 =	sld [smem:$0x3FAF]  }
0x31: {  	[smem:$0x3FB8] =	sst s10  }
0x32: {  	s10 =	sld [smem:$0x3FB6];
	_ =	sdelay $0x3  }
0x33: {  	p0 =	seq.s32 s10, $0x1;
	s10 =	sld [smem:$0x3FB8];
	_ =	sdelay $0x3  }
0x34: {  	[smem:$0x3FB8] =	sst s10  }
0x35: {  	s10 =	sld [smem:$0x3FB7];
	_ =	sdelay $0x3  }
0x36: {  	p1 =	seq.s32 s10, $0x1;
	s10 =	sld [smem:$0x3FB8];
	_ =	sdelay $0x3  }
0x37: {  	[smem:$0x3FB8] =	sst s10  }
0x38: {  	s10 =	sld [smem:$0x3FB9]  }
0x39: {  	_ = 	snop;
	(pc) =	sbr.ind lr, $3  }
0x3a: {  	_ = 	snop  }
0x3b: {  	_ = 	snop  }
0x3c: {  	p2 =	seq.s32 s10, $0x1;
	s10 =	sld [smem:$0x3FB8]  }
0x3d: {  	_ =	shalt  }
0x3e: {  	_ =	shalt  }
0x3f: {  	_ =	shalt  }
0x40: {  	_ =	shalt  }
0x41: {  	_ =	shalt  }
0x42: {  	_ =	shalt  }
0x43: {  	_ =	shalt  }
0x44: {  	_ =	shalt  }
0x45: {  	_ =	shalt  }
0x46: {  	_ =	shalt  }
0x47: {  	_ =	shalt  }
0x48: {  	_ =	shalt  }
0x49: {  	_ =	shalt  }
0x4a: {  	_ =	shalt  }
0x4b: {  	_ =	shalt  }
0x4c: {  	_ =	shalt  }
0x4d: {  	_ =	shalt  }
0x4e: {  	_ =	shalt  }
0x4f: {  	_ =	shalt  }
0x50: {  	_ =	shalt  }
0x51: {  	_ =	shalt  }
0x52: {  	_ =	shalt  }
0x53: {  	_ =	shalt  }
0x54: {  	_ =	shalt  }
0x55: {  	_ =	shalt  }
0x56: {  	_ =	shalt  }
0x57: {  	_ =	shalt  }
0x58: {  	_ =	shalt  }
0x59: {  	_ =	shalt  }
0x5a: {  	_ =	shalt  }
0x5b: {  	_ =	shalt  }
0x5c: {  	_ =	shalt  }
0x5d: {  	_ =	shalt  }
0x5e: {  	_ =	shalt  }
0x5f: {  	_ =	shalt  }
0x60: {  	_ =	shalt  }
0x61: {  	_ =	shalt  }
0x62: {  	_ =	shalt  }
0x63: {  	_ =	shalt  }
0x64: {  	_ =	shalt  }
0x65: {  	_ =	shalt  }
0x66: {  	_ =	shalt  }
0x67: {  	_ =	shalt  }
0x68: {  	_ =	shalt  }
0x69: {  	_ =	shalt  }
0x6a: {  	_ =	shalt  }
0x6b: {  	_ =	shalt  }
0x6c: {  	_ =	shalt  }
0x6d: {  	_ =	shalt  }
0x6e: {  	_ =	shalt  }
0x6f: {  	_ =	shalt  }
0x70: {  	_ =	shalt  }
0x71: {  	_ =	shalt  }
0x72: {  	_ =	shalt  }
0x73: {  	_ =	shalt  }
0x74: {  	_ =	shalt  }
0x75: {  	_ =	shalt  }
0x76: {  	_ =	shalt  }
0x77: {  	_ =	shalt  }
0x78: {  	_ =	shalt  }
0x79: {  	_ =	shalt  }
0x7a: {  	_ =	shalt  }
0x7b: {  	_ =	shalt  }
0x7c: {  	_ =	shalt  }
0x7d: {  	_ =	shalt  }
0x7e: {  	_ =	shalt  }
0x7f: {  	_ =	shalt  }
0x80: {  	_ =	shalt  }
0x81: {  	_ =	shalt  }
0x82: {  	_ =	shalt  }
0x83: {  	_ =	shalt  }
0x84: {  	_ =	shalt  }
0x85: {  	_ =	shalt  }
0x86: {  	_ =	shalt  }
0x87: {  	_ =	shalt  }
.Lfunc_end0:
.L_simem_size_0:
called_computation_lowered:
.L_overlay_start_0:
0x88: {  	s2 =	sld [smem:$0x3FD9]  }
0x89: {  	s3 =	sld [smem:$0x3FFE];
	_ =	sdelay $0x1  }
0x8a: {  	s1 =	srdreg.scid  }
0x8b: {  	s0 =	sand.u32 $0x1, s1  }
0x8c: {  	s17 =	sshll.u32 s0, $0xA;
	s2 =	sadd.s32 s3, s2  }
0x8d: {  	s2 =	sadd.s32 s2, s17  }
0x8e: {  	[smem:$0x3FC4] =	sst s2  }
0x8f: {  	_ = 	snop  }
0x90: {  	s2 =	sld [smem:$0x3FC9];
	(tm) =	ssettm $0x1  }
0x91: {  	s18 =	sld [smem:$0x3FFB];
	_ =	sdelay $0x3  }
0x92: {  	_ =	strace s18  }
0x93: {  	s3 =	sld [smem:$0x3FFC];
	_ =	sdelay $0x3  }
0x94: {  	_ =	strace s3  }
0x95: {  	s3 =	sld [smem:$0x3FFD];
	_ =	sdelay $0x3  }
0x96: {  	_ =	strace s3  }
0x97: {  	_ =	strace $0x8FFFFFFF  }
0x98: {  	s19 =	sld [smem:$0x3FDB];
	_ =	sdelay $0x1  }
0x99: {  	s4 =	simm.s32 $_scs_section_size  }
0x9a: {  	s5 =	simm.s32 $_size__tile_overlayer_lowered;
	s6 =	simm.s32 $_tile_overlayer_lowered  }
0x9b: {  	s22 =	simm.s32 $0x1BFF;
	s21 =	sshll.u32 s6, $0x1;
	s3 =	sadd.s32 s4, s19  }
0x9c: {  	s7 =	simm.s32 $0x0;
	s20 =	sshll.u32 s5, $0x1;
	s5 =	sadd.s32 s21, s3  }
0x9d: {  	[timem:s7], [sflag:s22] =	dma.local [hbm:s5], s20  }
0x9e: {  	_ =	swait.ge [sflag:s22], s20  }
0x9f: {  	s4 =	ssub.s32 $0x0, s20;
	[sflag:s22] =	ssyncset.done $0x0  }
0xa0: {  	[sflag:s22] =	ssyncadd.s32 s4;
	_ =	sdelay $0x1  }
0xa1: {  	s23 =	simm.s32 $0x1B8B  }
0xa2: {  	_ =	swait.ge [sflag:s23], $0x1  }
0xa3: {  	[sflag:s23] =	ssyncset.done $0x0  }
0xa4: {  	s25 =	simm.s32 $0x1B8E;
	s24 =	sld [smem:$0x3FFE];
	[sflag:s23] =	ssyncadd.s32 $0xFFFFFFFF  }
0xa5: {  	s26 =	simm.s32 $execute0_lowered;
	[smem:$0x3FD2] =	sst s25  }
0xa6: {  	s5 =	sshll.u32 s26, $0x1;
	_ =	strace $0x80000046;
	[dreg:$0x1] =	wrdreg $0xFFFFFFFF  }
0xa7: {  	s28 =	simm.s32 $_size_execute0_lowered;
	s3 =	sadd.s32 s3, s5;
	[dreg:$0x0] =	wrdreg $0x0  }
0xa8: {  	s5 =	sshll.u32 s28, $0x1;
	[dreg:$0x2] =	wrdreg s3  }
0xa9: {  	[dreg:$0x3] =	wrdreg s5  }
0xaa: {  	[dreg:$0x4] =	wrdreg $0xC0  }
0xab: {  	_ =	task [dreg:s7], $0x5FFFF  }
0xac: {  	[dreg:$0x1] =	wrdreg $0xFFFFFFFF  }
0xad: {  	[dreg:$0x0] =	wrdreg $0x60  }
0xae: {  	[dreg:$0x2] =	wrdreg s2  }
0xaf: {  	[dreg:$0x3] =	wrdreg s24  }
0xb0: {  	[dreg:$0x4] =	wrdreg $0x9  }
0xb1: {  	_ =	task.clear_ibuf [dreg:s7], $0x5FFFF;
	_ =	strace $0x90000046  }
0xb2: {  	s29 =	simm.s32 $0x9;
	_ =	strace $0x80000048  }
0xb3: {  	_ =	swait.ge [sflag:s29], $0x1  }
0xb4: {  	[sflag:s29] =	ssyncadd.s32 $0xFFFFFFFF  }
0xb5: {  	_ =	strace $0x90000048  }
0xb6: {  	_ =	sfence  }
0xb7: {  	s30 =	sld [smem:$0x0];
	_ =	sdelay $0x2  }
0xb8: {  	s31 =	sshll.u32 s1, $0xD;
	s1 =	sshrl.u32 s1, $0x2  }
0xb9: {  	s3 =	sand.u32 $0x4000, s31;
	s1 =	sadd.s32 s1, s30  }
0xba: {  	s0 =	sor.u32 s3, s0;
	s1 =	sshll.u32 s1, $0x11  }
0xbb: {  	s0 =	sor.u32 s1, s0  }
0xbc: {  	s0 =	sadd.s32 $0x8F2B, s0  }
0xbd: {  	[sflag:s0] =	ssyncadd.remote.s32 $0x1  }
0xbe: {  	_ =	sfence.sel $0xFFFF  }
0xbf: {  	[dreg:$0x0] =	wrdreg $0xFFFFFFFF;
	(pc) =	sbr.abs _section_cstart, $3  }
0xc0: {  	[dreg:$0x1] =	wrdreg $0xFFFFFFFF  }
0xc1: {  	_ =	task.clear_ibuf [dreg:s7], $0x2FFFF;
	_ =	strace $0x9FFFFFFF  }
0xc2: {  	(tm) =	ssettm $0x7FFFFFFF  }
0xc3: {  	_ =	shalt  }
tec
execute0_lowered:
.L_overlay_start_1:
0x0: {  	(tag) =	ssettag $0x1  }
0x1: {  	s1 =	srdreg.scid;
	s3 =	rddreg [dreg:$0x0]  }
0x2: {  	s0 =	stileid.u32;
	s5 =	rddreg [dreg:$0x1];
	s2 =	simm.s32 $0x0  }
0x3: {  	s8 =	simm.s32 $0x80;
	s26 =	simm.s32 $0x880;
	s9 =	simm.s32 $0x1080  }
0x4: {  	s10 =	simm.s32 $0x1880;
	s11 =	simm.s32 $0x2080;
	s12 =	simm.s32 $0x2880  }
0x5: {  	s13 =	simm.s32 $0x3080;
	s14 =	simm.s32 $0x3880;
	s15 =	simm.s32 $0x4080  }
0x6: {  	s16 =	simm.s32 $0x4880;
	s17 =	simm.s32 $0x5080;
	s18 =	simm.s32 $0x5880  }
0x7: {  	s19 =	simm.s32 $0x6080;
	s20 =	simm.s32 $0x6880;
	s21 =	simm.s32 $0x7080  }
0x8: {  	s22 =	simm.s32 $0x7880;
	s23 =	simm.s32 $0x8080;
	s24 =	simm.s32 $0x8880  }
0x9: {  	s28 =	simm.s32 $0xA080;
	s29 =	simm.s32 $0xA880;
	s30 =	simm.s32 $0xB080  }
0xa: {  	s31 =	simm.s32 $0xB880;
	s1 =	sand.u32 $0x1, s1;
	[smem:$0x7FF] =	sst s2  }
0xb: {  	s4 =	sshll.u32 s0, $0x4;
	s6 =	sshll.u32 s1, $0x3;
	_ =	strace $0x80000047  }
0xc: {  	s1 =	ssub.s32 $0x2, s1;
	[dreg:$0x5] =	wrdreg s26;
	s4 =	sor.u32 s6, s4  }
0xd: {  	s26 =	simm.s32 $0x9880;
	s7 =	sshrl.u32 s1, $0x1;
	s6 =	smul.u32 $0x300, s4  }
0xe: {  	s4 =	sadd.s32 s5, s4;
	s1 =	ssub.s32 s1, s7;
	s7 =	simm.s32 $0x2  }
0xf: {  	v2 =	vlaneseq.u32;
	[dreg:$0x3] =	wrdreg s4;
	s4 =	sadd.s32 $0x300, s5;
	s25 =	sadd.s32 s3, s6  }
0x10: {  	vm0 =	vmmov $0xffff;
	v1 =	vshrl.u32 v2, $0x3;
	s3 =	sadd.s32 $0x200, s5;
	s5 =	sadd.s32 $0x400, s5;
	s6 =	smax.u32 s1, $0x1  }
0x11: {  	v0 =	vand.u32 $0x7, v2;
	v2 =	vor.u32 $0x8, v2;
	v1 =	vmul.u32 $0x8, v1;
	s1 =	simm.s32 $0x1;
	[dreg:$0x4] =	wrdreg s25;
	s25 =	simm.s32 $0x9080  }
.LBB2_1:
0x12: {  	s0 =	rddreg [dreg:$0x3]  }
0x13: {  	[tilespmem:s2], [sflag:$0x2] =	stream.linear.gather [hbm4b:s0+s2], $0x40, $0x38;
	[tilespmem:$0xC080] =	vst v63  }
0x14: {  	_ =	swait.ge [sflag:s7], $0x40  }
0x15: {  	[sflag:s7] =	ssyncset.done $0x0  }
0x16: {  	s0 =	rddreg [dreg:$0x4];
	[sflag:s7] =	ssyncadd.s32 $0xFFFFFFC0  }
0x17: {  	[tilespmem:s8], [sflag:$0x2] =	stream.linear.gather [hbm4b:s0+s2], $0xC000, $0x38;
	[tilespmem:$0xC080] =	vst v63  }
0x18: {  	_ =	swait.ge [sflag:s7], $0xC000  }
0x19: {  	[sflag:s7] =	ssyncset.done $0x0  }
0x1a: {  	[sflag:s7] =	ssyncadd.s32 $0xFFFF4000  }
0x1b: {  	v3 =	vld [tilespmem:$0x0];
	_ =	sdelay $0x4  }
0x1c: {  	v4 =	vshrl.u32 v3, $0x3  }
0x1d: {  	v4 =	vmul.u32 $0x30, v4  }
0x1e: {  	v3 =	vand.u32 $0x7, v3  }
0x1f: {  	v3 =	vor.u32 v3, v4  }
0x20: {  	v4 =	vperm.xlane v3, v0;
	_ =	sdelay $0x1  }
0x21: {  	v4 =	vadd.s32 v1, v4;
	_ =	sdelay $0x3  }
0x22: {  	v3 =	vperm.xlane v3, v2  }
0x23: {  	[hbm4b:s3+s2] =	stream.indirect_vreg.scatter [tilespmem:s8], [sflag:$0x1], $0x80, v4, vm0, $0xb8;
	[tilespmem:$0xC080] =	vst v63  }
0x24: {  	s0 =	rddreg [dreg:$0x5];
	v3 =	vadd.s32 v1, v3  }
0x25: {  	[hbm4b:s4+s2] =	stream.indirect_vreg.scatter [tilespmem:s0], [sflag:$0x1], $0x80, v4, vm0, $0xb8;
	[tilespmem:$0xC080] =	vst v63  }
0x26: {  	_ = 	snop  }
0x27: {  	[hbm4b:s5+s2] =	stream.indirect_vreg.scatter [tilespmem:s9], [sflag:$0x1], $0x80, v4, vm0, $0xb8;
	[tilespmem:$0xC080] =	vst v63  }
0x28: {  	_ = 	snop  }
0x29: {  	[hbm4b:s3+s2] =	stream.indirect_vreg.scatter [tilespmem:s10], [sflag:$0x1], $0x80, v3, vm0, $0xb8;
	[tilespmem:$0xC080] =	vst v63  }
0x2a: {  	_ = 	snop  }
0x2b: {  	[hbm4b:s4+s2] =	stream.indirect_vreg.scatter [tilespmem:s11], [sflag:$0x1], $0x80, v3, vm0, $0xb8;
	[tilespmem:$0xC080] =	vst v63  }
0x2c: {  	_ = 	snop  }
0x2d: {  	[hbm4b:s5+s2] =	stream.indirect_vreg.scatter [tilespmem:s12], [sflag:$0x1], $0x80, v3, vm0, $0xb8;
	[tilespmem:$0xC080] =	vst v63  }
0x2e: {  	v3 =	vld [tilespmem:$0x10];
	_ =	sdelay $0x4  }
0x2f: {  	v61 =	vshrl.u32 v3, $0x3  }
0x30: {  	v4 =	vmul.u32 $0x30, v61  }
0x31: {  	v3 =	vand.u32 $0x7, v3  }
0x32: {  	v3 =	vor.u32 v3, v4  }
0x33: {  	v4 =	vperm.xlane v3, v0;
	_ =	sdelay $0x1  }
0x34: {  	v4 =	vadd.s32 v1, v4;
	_ =	sdelay $0x3  }
0x35: {  	v3 =	vperm.xlane v3, v2  }
0x36: {  	[hbm4b:s3+s2] =	stream.indirect_vreg.scatter [tilespmem:s13], [sflag:$0x1], $0x80, v4, vm0, $0xb8;
	[tilespmem:$0xC080] =	vst v63  }
0x37: {  	v3 =	vadd.s32 v1, v3  }
0x38: {  	[hbm4b:s4+s2] =	stream.indirect_vreg.scatter [tilespmem:s14], [sflag:$0x1], $0x80, v4, vm0, $0xb8;
	[tilespmem:$0xC080] =	vst v63  }
0x39: {  	_ = 	snop  }
0x3a: {  	[hbm4b:s5+s2] =	stream.indirect_vreg.scatter [tilespmem:s15], [sflag:$0x1], $0x80, v4, vm0, $0xb8;
	[tilespmem:$0xC080] =	vst v63  }
0x3b: {  	_ = 	snop  }
0x3c: {  	[hbm4b:s3+s2] =	stream.indirect_vreg.scatter [tilespmem:s16], [sflag:$0x1], $0x80, v3, vm0, $0xb8;
	[tilespmem:$0xC080] =	vst v63  }
0x3d: {  	_ = 	snop  }
0x3e: {  	[hbm4b:s4+s2] =	stream.indirect_vreg.scatter [tilespmem:s17], [sflag:$0x1], $0x80, v3, vm0, $0xb8;
	[tilespmem:$0xC080] =	vst v63  }
0x3f: {  	_ = 	snop  }
0x40: {  	[hbm4b:s5+s2] =	stream.indirect_vreg.scatter [tilespmem:s18], [sflag:$0x1], $0x80, v3, vm0, $0xb8;
	[tilespmem:$0xC080] =	vst v63  }
0x41: {  	v3 =	vld [tilespmem:$0x20];
	_ =	sdelay $0x4  }
0x42: {  	v62 =	vshrl.u32 v3, $0x3  }
0x43: {  	v4 =	vmul.u32 $0x30, v62  }
0x44: {  	v3 =	vand.u32 $0x7, v3  }
0x45: {  	v3 =	vor.u32 v3, v4  }
0x46: {  	v4 =	vperm.xlane v3, v0;
	_ =	sdelay $0x1  }
0x47: {  	v4 =	vadd.s32 v1, v4;
	_ =	sdelay $0x3  }
0x48: {  	v3 =	vperm.xlane v3, v2  }
0x49: {  	[hbm4b:s3+s2] =	stream.indirect_vreg.scatter [tilespmem:s19], [sflag:$0x1], $0x80, v4, vm0, $0xb8;
	[tilespmem:$0xC080] =	vst v63  }
0x4a: {  	v3 =	vadd.s32 v1, v3  }
0x4b: {  	[hbm4b:s4+s2] =	stream.indirect_vreg.scatter [tilespmem:s20], [sflag:$0x1], $0x80, v4, vm0, $0xb8;
	[tilespmem:$0xC080] =	vst v63  }
0x4c: {  	_ = 	snop  }
0x4d: {  	[hbm4b:s5+s2] =	stream.indirect_vreg.scatter [tilespmem:s21], [sflag:$0x1], $0x80, v4, vm0, $0xb8;
	[tilespmem:$0xC080] =	vst v63  }
0x4e: {  	_ = 	snop  }
0x4f: {  	[hbm4b:s3+s2] =	stream.indirect_vreg.scatter [tilespmem:s22], [sflag:$0x1], $0x80, v3, vm0, $0xb8;
	[tilespmem:$0xC080] =	vst v63  }
0x50: {  	_ = 	snop  }
0x51: {  	[hbm4b:s4+s2] =	stream.indirect_vreg.scatter [tilespmem:s23], [sflag:$0x1], $0x80, v3, vm0, $0xb8;
	[tilespmem:$0xC080] =	vst v63  }
0x52: {  	_ = 	snop  }
0x53: {  	[hbm4b:s5+s2] =	stream.indirect_vreg.scatter [tilespmem:s24], [sflag:$0x1], $0x80, v3, vm0, $0xb8;
	[tilespmem:$0xC080] =	vst v63  }
0x54: {  	v3 =	vld [tilespmem:$0x30];
	_ =	sdelay $0x4  }
0x55: {  	v63 =	vshrl.u32 v3, $0x3  }
0x56: {  	v4 =	vmul.u32 $0x30, v63  }
0x57: {  	v3 =	vand.u32 $0x7, v3  }
0x58: {  	v3 =	vor.u32 v3, v4  }
0x59: {  	v4 =	vperm.xlane v3, v0;
	_ =	sdelay $0x1  }
0x5a: {  	v4 =	vadd.s32 v1, v4;
	_ =	sdelay $0x3  }
0x5b: {  	v3 =	vperm.xlane v3, v2  }
0x5c: {  	[hbm4b:s3+s2] =	stream.indirect_vreg.scatter [tilespmem:s25], [sflag:$0x1], $0x80, v4, vm0, $0xb8;
	[tilespmem:$0xC080] =	vst v63  }
0x5d: {  	v3 =	vadd.s32 v1, v3  }
0x5e: {  	[hbm4b:s4+s2] =	stream.indirect_vreg.scatter [tilespmem:s26], [sflag:$0x1], $0x80, v4, vm0, $0xb8;
	[tilespmem:$0xC080] =	vst v63  }
0x5f: {  	_ = 	snop  }
0x60: {  	[hbm4b:s5+s2] =	stream.indirect_vreg.scatter [tilespmem:s28], [sflag:$0x1], $0x80, v4, vm0, $0xb8;
	[tilespmem:$0xC080] =	vst v63  }
0x61: {  	_ = 	snop  }
0x62: {  	[hbm4b:s3+s2] =	stream.indirect_vreg.scatter [tilespmem:s29], [sflag:$0x1], $0x80, v3, vm0, $0xb8;
	[tilespmem:$0xC080] =	vst v63  }
0x63: {  	p0 =	sne.s32 s6, $0x1  }
0x64: {  	[hbm4b:s4+s2] =	stream.indirect_vreg.scatter [tilespmem:s30], [sflag:$0x1], $0x80, v3, vm0, $0xb8;
	[tilespmem:$0xC080] =	vst v63  }
.Ltmp0:
0x65: {  	_ = 	snop;
	(pc) =	sbr.rel @p0 .LBB2_1-.Ltmp0, $4  }
0x66: {  	[hbm4b:s5+s2] =	stream.indirect_vreg.scatter [tilespmem:s31], [sflag:$0x1], $0x80, v3, vm0, $0xb8;
	[tilespmem:$0xC080] =	vst v63  }
0x67: {  	_ =	swait.ge [sflag:s1], $0xC000  }
0x68: {  	[sflag:s1] =	ssyncset.done $0x0  }
0x69: {  	s6 =	sadd.s32 $0xFFFFFFFF, s6;
	[sflag:s1] =	ssyncadd.s32 $0xFFFF4000  }
0x6a: {  	_ =	sfence.sel $0x180000  }
0x6b: {  	[bflag:$0x0] =	sbarrier.arrive $0xFFFF  }
0x6c: {  	_ =	strace $0x90000047  }
0x6d: {  	s0 =	stileid.u32;
	[bflag:$0x2] =	sbarrier.arrive $0xFFFF  }
0x6e: {  	p0 =	sne.s32 s0, $0x0;
	s0 =	rddreg [dreg:$0x2]  }
0x6f: {  	s0 =	sadd.s32 @!p0 $0x100000, s0  }
0x70: {  	[sflag:s0] =	ssyncadd.tile.s32 @!p0 $0x1;
	_ =	shalt  }
.Lfunc_end2:
_tile_overlayer_lowered:
.L_overlay_start_2:
0x71: {  	(tag) =	ssettag $0x2  }
0x72: {  	s0 =	rddreg [dreg:$0x0];
	s2 =	stileid.u32  }
0x73: {  	s1 =	rddreg [dreg:$0x1];
	p0 =	sne.s32 s2, $0x0  }
0x74: {  	s3 =	rddreg [dreg:$0x2];
	[bflag:$0x3] =	sbarrier.arrive $0xFFFF;
	s2 =	simm.s32 @!p0 $0x1C02  }
0x75: {  	[timem:s3], [sflag:s2] =	dma.local @!p0 [hbm:s0], s1  }
0x76: {  	s0 =	simm.s32 @!p0 $0x2  }
0x77: {  	_ =	swait.ge @!p0 [sflag:s0], s1  }
0x78: {  	s1 =	ssub.s32 @!p0 $0x0, s1;
	[sflag:s0] =	ssyncset.done @!p0 $0x0  }
0x79: {  	[sflag:s0] =	ssyncadd.s32 @!p0 s1  }
0x7a: {  	[bflag:$0x3] =	sbarrier.arrive $0xFFFF  }
0x7b: {  	_ =	shalt  }

// kernel: kernel.9.cloned.1.call-start
scs
__scs_entry_jumppad:
0x0: {  	(pc) =	sbr.rel $0x88, $3  }
0x1: {  	(tag) =	ssettag $0x0;
	lr =	simm.s32 $0x1  }
0x2: {  	[smem:$0x3F9D] =	sst lr;
	_ =	strace $0xD0000000  }
0x3: {  	_ = 	snop  }
0x4: {  	_ = 	snop  }
0x5: {  	_ = 	snop  }
0x6: {  	_ = 	snop  }
0x7: {  	_ = 	snop  }
__scs_overlays_trampoline_lowered:
0x8: {  	[smem:$0x3FAC] =	sst s0  }
0x9: {  	[smem:$0x3FAD] =	sst s1  }
0xa: {  	[smem:$0x3FAE] =	sst s2  }
0xb: {  	[smem:$0x3FAF] =	sst s3  }
0xc: {  	[smem:$0x3FB0] =	sst s4  }
0xd: {  	[smem:$0x3FB1] =	sst s5  }
0xe: {  	[smem:$0x3FB2] =	sst s6  }
0xf: {  	[smem:$0x3FB3] =	sst s7  }
0x10: {  	[smem:$0x3FB4] =	sst s8  }
0x11: {  	[smem:$0x3FB5] =	sst s9;
	s0 =	simm.s32 @!p0 $0x0  }
0x12: {  	s1 =	sld [smem:$0x3F9B];
	s0 =	simm.s32 @p0 $0x1  }
0x13: {  	[smem:$0x3FB6] =	sst s0;
	s0 =	simm.s32 @!p1 $0x0  }
0x14: {  	s2 =	sld [smem:$0x3F9A];
	s0 =	simm.s32 @p1 $0x1  }
0x15: {  	[smem:$0x3FB7] =	sst s0;
	s0 =	simm.s32 @!p2 $0x0  }
0x16: {  	s3 =	sld [smem:$0x3FDB];
	s0 =	simm.s32 @p2 $0x1  }
0x17: {  	s4 =	simm.s32 $0x1BF5;
	[smem:$0x3FB9] =	sst s0  }
0x18: {  	s0 =	sld [smem:$0x3F9C];
	_ =	swait.ge [sflag:s4], $0x0  }
0x19: {  	s7 =	sld [smem:$0x3F9D]  }
0x1a: {  	s8 =	sadd.s32 $0xFFFFE003, lr  }
0x1b: {  	s9 =	sadd.s32 $0xFFFFFEF7, lr;
	s5 =	simm.s32 $0xFFFFFFFF;
	p2 =	slt.u32 s8, $0xFFFFF086  }
0x1c: {  	p1 =	slt.u32 s9, $0xF7A;
	s5 =	simm.s32 @!p2 $0x0  }
0x1d: {  	s5 =	simm.s32 @p1 $0x1;
	p0 =	seq.s32 s7, s2  }
0x1e: {  	s7 =	smul.u32 @!p0 $0xF7A, s2;
	p2 =	seq.s32 @!p0 s5, $0x0  }
0x1f: {  	s9 =	smul.u32 $0xF7A, s1;
	s8 =	simm.s32 @!p0 $0x1BF5;
	p2 =	por !p2, p0  }
0x20: {  	[sflag:s8] =	ssyncset.s32 @!p0 $0xFFFFF086;
	s6 =	sadd.s32 @!p0 s3, s7;
	s7 =	simm.s32 @!p0 $0x108  }
0x21: {  	s3 =	sadd.s32 s3, s9;
	s6 =	sadd.s32 @!p0 $0x88, s6;
	s7 =	simm.s32 @p2 $0x1082  }
0x22: {  	[simem:s7], [sflag:s8] =	dma.local @!p0 [hbm:s6], $0xF7A  }
0x23: {  	s9 =	sor.u32 $0xD0000000, s2;
	s6 =	simm.s32 $0x108;
	_ =	swait.ge @!p0 [sflag:s8], $0x0  }
0x24: {  	s3 =	sadd.s32 $0x88, s3;
	s6 =	simm.s32 @!p1 $0x1082;
	[sflag:s4] =	ssyncset.s32 $0xFFFFF086  }
0x25: {  	[simem:s6], [sflag:s4] =	dma.local [hbm:s3], $0xF7A  }
0x26: {  	[smem:$0x3F9D] =	sst s1;
	(tag) =	ssettag s2;
	_ =	strace s9  }
0x27: {  	s1 =	sld [smem:$0x3FAD]  }
0x28: {  	s2 =	sld [smem:$0x3FAE]  }
0x29: {  	s4 =	sld [smem:$0x3FB0]  }
0x2a: {  	p0 =	seq.s32 s5, $0x0;
	s5 =	sld [smem:$0x3FB1]  }
0x2b: {  	s6 =	sld [smem:$0x3FB2]  }
0x2c: {  	s7 =	sld [smem:$0x3FB3]  }
0x2d: {  	s3 =	simm.s32 $0x108;
	s8 =	sld [smem:$0x3FB4]  }
0x2e: {  	s3 =	simm.s32 @!p0 $0x1082;
	s9 =	sld [smem:$0x3FB5]  }
0x2f: {  	lr =	sadd.s32 s0, s3;
	s0 =	sld [smem:$0x3FAC]  }
0x30: {  	s3 =	sld [smem:$0x3FAF]  }
0x31: {  	[smem:$0x3FB8] =	sst s10  }
0x32: {  	s10 =	sld [smem:$0x3FB6];
	_ =	sdelay $0x3  }
0x33: {  	p0 =	seq.s32 s10, $0x1;
	s10 =	sld [smem:$0x3FB8];
	_ =	sdelay $0x3  }
0x34: {  	[smem:$0x3FB8] =	sst s10  }
0x35: {  	s10 =	sld [smem:$0x3FB7];
	_ =	sdelay $0x3  }
0x36: {  	p1 =	seq.s32 s10, $0x1;
	s10 =	sld [smem:$0x3FB8];
	_ =	sdelay $0x3  }
0x37: {  	[smem:$0x3FB8] =	sst s10  }
0x38: {  	s10 =	sld [smem:$0x3FB9]  }
0x39: {  	_ = 	snop;
	(pc) =	sbr.ind lr, $3  }
0x3a: {  	_ = 	snop  }
0x3b: {  	_ = 	snop  }
0x3c: {  	p2 =	seq.s32 s10, $0x1;
	s10 =	sld [smem:$0x3FB8]  }
0x3d: {  	_ =	shalt  }
0x3e: {  	_ =	shalt  }
0x3f: {  	_ =	shalt  }
0x40: {  	_ =	shalt  }
0x41: {  	_ =	shalt  }
0x42: {  	_ =	shalt  }
0x43: {  	_ =	shalt  }
0x44: {  	_ =	shalt  }
0x45: {  	_ =	shalt  }
0x46: {  	_ =	shalt  }
0x47: {  	_ =	shalt  }
0x48: {  	_ =	shalt  }
0x49: {  	_ =	shalt  }
0x4a: {  	_ =	shalt  }
0x4b: {  	_ =	shalt  }
0x4c: {  	_ =	shalt  }
0x4d: {  	_ =	shalt  }
0x4e: {  	_ =	shalt  }
0x4f: {  	_ =	shalt  }
0x50: {  	_ =	shalt  }
0x51: {  	_ =	shalt  }
0x52: {  	_ =	shalt  }
0x53: {  	_ =	shalt  }
0x54: {  	_ =	shalt  }
0x55: {  	_ =	shalt  }
0x56: {  	_ =	shalt  }
0x57: {  	_ =	shalt  }
0x58: {  	_ =	shalt  }
0x59: {  	_ =	shalt  }
0x5a: {  	_ =	shalt  }
0x5b: {  	_ =	shalt  }
0x5c: {  	_ =	shalt  }
0x5d: {  	_ =	shalt  }
0x5e: {  	_ =	shalt  }
0x5f: {  	_ =	shalt  }
0x60: {  	_ =	shalt  }
0x61: {  	_ =	shalt  }
0x62: {  	_ =	shalt  }
0x63: {  	_ =	shalt  }
0x64: {  	_ =	shalt  }
0x65: {  	_ =	shalt  }
0x66: {  	_ =	shalt  }
0x67: {  	_ =	shalt  }
0x68: {  	_ =	shalt  }
0x69: {  	_ =	shalt  }
0x6a: {  	_ =	shalt  }
0x6b: {  	_ =	shalt  }
0x6c: {  	_ =	shalt  }
0x6d: {  	_ =	shalt  }
0x6e: {  	_ =	shalt  }
0x6f: {  	_ =	shalt  }
0x70: {  	_ =	shalt  }
0x71: {  	_ =	shalt  }
0x72: {  	_ =	shalt  }
0x73: {  	_ =	shalt  }
0x74: {  	_ =	shalt  }
0x75: {  	_ =	shalt  }
0x76: {  	_ =	shalt  }
0x77: {  	_ =	shalt  }
0x78: {  	_ =	shalt  }
0x79: {  	_ =	shalt  }
0x7a: {  	_ =	shalt  }
0x7b: {  	_ =	shalt  }
0x7c: {  	_ =	shalt  }
0x7d: {  	_ =	shalt  }
0x7e: {  	_ =	shalt  }
0x7f: {  	_ =	shalt  }
0x80: {  	_ =	shalt  }
0x81: {  	_ =	shalt  }
0x82: {  	_ =	shalt  }
0x83: {  	_ =	shalt  }
0x84: {  	_ =	shalt  }
0x85: {  	_ =	shalt  }
0x86: {  	_ =	shalt  }
0x87: {  	_ =	shalt  }
.Lfunc_end0:
.L_simem_size_0:
called_computation.1_lowered:
.L_overlay_start_0:
0x88: {  	s2 =	sld [smem:$0x3FD9]  }
0x89: {  	s3 =	sld [smem:$0x3FFE];
	_ =	sdelay $0x1  }
0x8a: {  	s1 =	srdreg.scid  }
0x8b: {  	s0 =	sand.u32 $0x1, s1  }
0x8c: {  	s14 =	sshll.u32 s0, $0xA;
	s2 =	sadd.s32 s3, s2  }
0x8d: {  	s2 =	sadd.s32 s2, s14  }
0x8e: {  	[smem:$0x3FC4] =	sst s2  }
0x8f: {  	_ = 	snop  }
0x90: {  	s2 =	sld [smem:$0x3FD0];
	_ =	sdelay $0x2  }
0x91: {  	s15 =	simm.s32 $0xA;
	s4 =	simm.s32 $0x10  }
0x92: {  	[smem:s4], [sflag:s15] =	dma.local [hbm:s2], $0x1  }
0x93: {  	_ =	swait.eq [sflag:s15], $0x1  }
0x94: {  	[sflag:s15] =	ssyncset.done $0x0  }
0x95: {  	[sflag:s15] =	ssyncadd.s32 $0xFFFFFFFF  }
0x96: {  	s16 =	sld [smem:$0x10];
	(tm) =	ssettm $0x1  }
0x97: {  	s17 =	sld [smem:$0x3FFB];
	_ =	sdelay $0x3  }
0x98: {  	_ =	strace s17  }
0x99: {  	s3 =	sld [smem:$0x3FFC];
	_ =	sdelay $0x3  }
0x9a: {  	_ =	strace s3  }
0x9b: {  	s3 =	sld [smem:$0x3FFD];
	_ =	sdelay $0x3  }
0x9c: {  	_ =	strace s3  }
0x9d: {  	_ =	strace $0x8FFFFFFF  }
0x9e: {  	s18 =	sld [smem:$0x3FDB];
	_ =	sdelay $0x1  }
0x9f: {  	s19 =	simm.s32 $_scs_section_size  }
0xa0: {  	s5 =	simm.s32 $_size__tile_overlayer_lowered;
	s6 =	simm.s32 $_tile_overlayer_lowered  }
0xa1: {  	s22 =	simm.s32 $0x1BFF;
	s21 =	sshll.u32 s6, $0x1;
	s3 =	sadd.s32 s19, s18  }
0xa2: {  	s7 =	simm.s32 $0x0;
	s20 =	sshll.u32 s5, $0x1;
	s5 =	sadd.s32 s21, s3  }
0xa3: {  	[timem:s7], [sflag:s22] =	dma.local [hbm:s5], s20  }
0xa4: {  	_ =	swait.ge [sflag:s22], s20  }
0xa5: {  	s4 =	ssub.s32 $0x0, s20;
	[sflag:s22] =	ssyncset.done $0x0  }
0xa6: {  	[sflag:s22] =	ssyncadd.s32 s4;
	_ =	sdelay $0x1  }
0xa7: {  	s23 =	simm.s32 $0x1B8B  }
0xa8: {  	_ =	swait.ge [sflag:s23], $0x1  }
0xa9: {  	[sflag:s23] =	ssyncset.done $0x0  }
0xaa: {  	s25 =	simm.s32 $0x1B8E;
	s24 =	sld [smem:$0x3FFE];
	[sflag:s23] =	ssyncadd.s32 $0xFFFFFFFF  }
0xab: {  	s26 =	simm.s32 $execute0_lowered;
	[smem:$0x3FD2] =	sst s25  }
0xac: {  	s5 =	sshll.u32 s26, $0x1;
	_ =	strace $0x80000049;
	[dreg:$0x1] =	wrdreg $0xFFFFFFFF  }
0xad: {  	s28 =	simm.s32 $_size_execute0_lowered;
	s3 =	sadd.s32 s3, s5;
	[dreg:$0x0] =	wrdreg $0x0  }
0xae: {  	s5 =	sshll.u32 s28, $0x1;
	[dreg:$0x2] =	wrdreg s3  }
0xaf: {  	[dreg:$0x3] =	wrdreg s5  }
0xb0: {  	[dreg:$0x4] =	wrdreg $0xC0  }
0xb1: {  	_ =	task [dreg:s7], $0x5FFFF  }
0xb2: {  	[dreg:$0x1] =	wrdreg $0xFFFFFFFF  }
0xb3: {  	[dreg:$0x0] =	wrdreg $0x60  }
0xb4: {  	[dreg:$0x2] =	wrdreg s24  }
0xb5: {  	[dreg:$0x3] =	wrdreg s16  }
0xb6: {  	[dreg:$0x4] =	wrdreg $0x9  }
0xb7: {  	_ =	task.clear_ibuf [dreg:s7], $0x5FFFF;
	_ =	strace $0x90000049  }
0xb8: {  	s29 =	simm.s32 $0x9;
	_ =	strace $0x8000004B  }
0xb9: {  	_ =	swait.ge [sflag:s29], $0x1  }
0xba: {  	[sflag:s29] =	ssyncadd.s32 $0xFFFFFFFF  }
0xbb: {  	_ =	strace $0x9000004B  }
0xbc: {  	_ =	sfence  }
0xbd: {  	s30 =	sld [smem:$0x0];
	_ =	sdelay $0x2  }
0xbe: {  	s31 =	sshll.u32 s1, $0xD;
	s1 =	sshrl.u32 s1, $0x2  }
0xbf: {  	s3 =	sand.u32 $0x4000, s31;
	s1 =	sadd.s32 s1, s30  }
0xc0: {  	s0 =	sor.u32 s3, s0;
	s1 =	sshll.u32 s1, $0x11  }
0xc1: {  	s0 =	sor.u32 s1, s0  }
0xc2: {  	s0 =	sadd.s32 $0x8F2B, s0  }
0xc3: {  	[sflag:s0] =	ssyncadd.remote.s32 $0x1  }
0xc4: {  	_ =	sfence.sel $0xFFFF  }
0xc5: {  	[dreg:$0x0] =	wrdreg $0xFFFFFFFF;
	(pc) =	sbr.abs _section_cstart, $3  }
0xc6: {  	[dreg:$0x1] =	wrdreg $0xFFFFFFFF  }
0xc7: {  	_ =	task.clear_ibuf [dreg:s7], $0x2FFFF;
	_ =	strace $0x9FFFFFFF  }
0xc8: {  	(tm) =	ssettm $0x7FFFFFFF  }
0xc9: {  	_ =	shalt  }
tec
execute0_lowered:
.L_overlay_start_1:
0x0: {  	(tag) =	ssettag $0x1  }
0x1: {  	s0 =	rddreg [dreg:$0x0]  }
0x2: {  	s5 =	rddreg [dreg:$0x1]  }
0x3: {  	s2 =	srdreg.scid;
	s1 =	stileid.u32;
	s26 =	simm.s32 $0x880  }
0x4: {  	s9 =	simm.s32 $0x1080;
	s10 =	simm.s32 $0x1880;
	s11 =	simm.s32 $0x2080  }
0x5: {  	s12 =	simm.s32 $0x2880;
	s13 =	simm.s32 $0x3080;
	s14 =	simm.s32 $0x3880  }
0x6: {  	s15 =	simm.s32 $0x4080;
	s16 =	simm.s32 $0x4880;
	s17 =	simm.s32 $0x5080  }
0x7: {  	s18 =	simm.s32 $0x5880;
	s19 =	simm.s32 $0x6080;
	s20 =	simm.s32 $0x6880  }
0x8: {  	s21 =	simm.s32 $0x7080;
	s22 =	simm.s32 $0x7880;
	s23 =	simm.s32 $0x8080  }
0x9: {  	s28 =	simm.s32 $0xA080;
	s29 =	simm.s32 $0xA880;
	s30 =	simm.s32 $0xB080  }
0xa: {  	s31 =	simm.s32 $0xB880;
	s3 =	sand.u32 $0x1, s2;
	s2 =	simm.s32 $0x0  }
0xb: {  	s4 =	sshll.u32 s1, $0x4;
	s6 =	sshll.u32 s3, $0x3;
	[smem:$0x7FF] =	sst s2  }
0xc: {  	s7 =	ssub.s32 $0x2, s3;
	s3 =	sadd.s32 $0x48200, s0;
	s4 =	sor.u32 s6, s4  }
0xd: {  	_ =	strace $0x8000004A;
	s24 =	sshrl.u32 s7, $0x1;
	[dreg:$0x5] =	wrdreg s26  }
0xe: {  	s26 =	simm.s32 $0x9880;
	s8 =	smul.u32 $0x300, s4;
	s6 =	ssub.s32 s7, s24  }
0xf: {  	s4 =	sadd.s32 s0, s4;
	s7 =	simm.s32 $0x2;
	s24 =	simm.s32 $0x8880  }
0x10: {  	v2 =	vlaneseq.u32;
	[dreg:$0x3] =	wrdreg s4;
	s4 =	sadd.s32 $0x48300, s0;
	s6 =	smax.u32 s6, $0x1  }
0x11: {  	vm0 =	vmmov $0xffff;
	v1 =	vshrl.u32 v2, $0x3;
	s25 =	sadd.s32 s5, s8;
	s5 =	sadd.s32 $0x48400, s0;
	s8 =	simm.s32 $0x80  }
0x12: {  	v0 =	vand.u32 $0x7, v2;
	v2 =	vor.u32 $0x8, v2;
	v1 =	vmul.u32 $0x8, v1;
	s0 =	simm.s32 $0x1;
	[dreg:$0x4] =	wrdreg s25;
	s25 =	simm.s32 $0x9080  }
.LBB2_1:
0x13: {  	s1 =	rddreg [dreg:$0x3]  }
0x14: {  	[tilespmem:s2], [sflag:$0x2] =	stream.linear.gather [hbm4b:s1+s2], $0x40, $0x38;
	[tilespmem:$0xC080] =	vst v63  }
0x15: {  	_ =	swait.ge [sflag:s7], $0x40  }
0x16: {  	[sflag:s7] =	ssyncset.done $0x0  }
0x17: {  	[sflag:s7] =	ssyncadd.s32 $0xFFFFFFC0  }
0x18: {  	v3 =	vld [tilespmem:$0x0];
	_ =	sdelay $0x4  }
0x19: {  	v4 =	vshrl.u32 v3, $0x3  }
0x1a: {  	v4 =	vmul.u32 $0x30, v4  }
0x1b: {  	v3 =	vand.u32 $0x7, v3  }
0x1c: {  	v3 =	vor.u32 v3, v4  }
0x1d: {  	v4 =	vperm.xlane v3, v0;
	_ =	sdelay $0x1  }
0x1e: {  	v4 =	vadd.s32 v1, v4;
	_ =	sdelay $0x3  }
0x1f: {  	v3 =	vperm.xlane v3, v2  }
0x20: {  	[tilespmem:s8], [sflag:$0x1] =	stream.indirect_vreg.gather [hbm4b:s3+s2], $0x80, v4, vm0, $0xb8;
	[tilespmem:$0xC080] =	vst v63  }
0x21: {  	s1 =	rddreg [dreg:$0x5];
	v3 =	vadd.s32 v1, v3  }
0x22: {  	[tilespmem:s1], [sflag:$0x1] =	stream.indirect_vreg.gather [hbm4b:s4+s2], $0x80, v4, vm0, $0xb8;
	[tilespmem:$0xC080] =	vst v63  }
0x23: {  	_ = 	snop  }
0x24: {  	[tilespmem:s9], [sflag:$0x1] =	stream.indirect_vreg.gather [hbm4b:s5+s2], $0x80, v4, vm0, $0xb8;
	[tilespmem:$0xC080] =	vst v63  }
0x25: {  	_ = 	snop  }
0x26: {  	[tilespmem:s10], [sflag:$0x1] =	stream.indirect_vreg.gather [hbm4b:s3+s2], $0x80, v3, vm0, $0xb8;
	[tilespmem:$0xC080] =	vst v63  }
0x27: {  	_ = 	snop  }
0x28: {  	[tilespmem:s11], [sflag:$0x1] =	stream.indirect_vreg.gather [hbm4b:s4+s2], $0x80, v3, vm0, $0xb8;
	[tilespmem:$0xC080] =	vst v63  }
0x29: {  	_ = 	snop  }
0x2a: {  	[tilespmem:s12], [sflag:$0x1] =	stream.indirect_vreg.gather [hbm4b:s5+s2], $0x80, v3, vm0, $0xb8;
	[tilespmem:$0xC080] =	vst v63  }
0x2b: {  	v3 =	vld [tilespmem:$0x10];
	_ =	sdelay $0x4  }
0x2c: {  	v61 =	vshrl.u32 v3, $0x3  }
0x2d: {  	v4 =	vmul.u32 $0x30, v61  }
0x2e: {  	v3 =	vand.u32 $0x7, v3  }
0x2f: {  	v3 =	vor.u32 v3, v4  }
0x30: {  	v4 =	vperm.xlane v3, v0;
	_ =	sdelay $0x1  }
0x31: {  	v4 =	vadd.s32 v1, v4;
	_ =	sdelay $0x3  }
0x32: {  	v3 =	vperm.xlane v3, v2  }
0x33: {  	[tilespmem:s13], [sflag:$0x1] =	stream.indirect_vreg.gather [hbm4b:s3+s2], $0x80, v4, vm0, $0xb8;
	[tilespmem:$0xC080] =	vst v63  }
0x34: {  	v3 =	vadd.s32 v1, v3  }
0x35: {  	[tilespmem:s14], [sflag:$0x1] =	stream.indirect_vreg.gather [hbm4b:s4+s2], $0x80, v4, vm0, $0xb8;
	[tilespmem:$0xC080] =	vst v63  }
0x36: {  	_ = 	snop  }
0x37: {  	[tilespmem:s15], [sflag:$0x1] =	stream.indirect_vreg.gather [hbm4b:s5+s2], $0x80, v4, vm0, $0xb8;
	[tilespmem:$0xC080] =	vst v63  }
0x38: {  	_ = 	snop  }
0x39: {  	[tilespmem:s16], [sflag:$0x1] =	stream.indirect_vreg.gather [hbm4b:s3+s2], $0x80, v3, vm0, $0xb8;
	[tilespmem:$0xC080] =	vst v63  }
0x3a: {  	_ = 	snop  }
0x3b: {  	[tilespmem:s17], [sflag:$0x1] =	stream.indirect_vreg.gather [hbm4b:s4+s2], $0x80, v3, vm0, $0xb8;
	[tilespmem:$0xC080] =	vst v63  }
0x3c: {  	_ = 	snop  }
0x3d: {  	[tilespmem:s18], [sflag:$0x1] =	stream.indirect_vreg.gather [hbm4b:s5+s2], $0x80, v3, vm0, $0xb8;
	[tilespmem:$0xC080] =	vst v63  }
0x3e: {  	v3 =	vld [tilespmem:$0x20];
	_ =	sdelay $0x4  }
0x3f: {  	v62 =	vshrl.u32 v3, $0x3  }
0x40: {  	v4 =	vmul.u32 $0x30, v62  }
0x41: {  	v3 =	vand.u32 $0x7, v3  }
0x42: {  	v3 =	vor.u32 v3, v4  }
0x43: {  	v4 =	vperm.xlane v3, v0;
	_ =	sdelay $0x1  }
0x44: {  	v4 =	vadd.s32 v1, v4;
	_ =	sdelay $0x3  }
0x45: {  	v3 =	vperm.xlane v3, v2  }
0x46: {  	[tilespmem:s19], [sflag:$0x1] =	stream.indirect_vreg.gather [hbm4b:s3+s2], $0x80, v4, vm0, $0xb8;
	[tilespmem:$0xC080] =	vst v63  }
0x47: {  	v3 =	vadd.s32 v1, v3  }
0x48: {  	[tilespmem:s20], [sflag:$0x1] =	stream.indirect_vreg.gather [hbm4b:s4+s2], $0x80, v4, vm0, $0xb8;
	[tilespmem:$0xC080] =	vst v63  }
0x49: {  	_ = 	snop  }
0x4a: {  	[tilespmem:s21], [sflag:$0x1] =	stream.indirect_vreg.gather [hbm4b:s5+s2], $0x80, v4, vm0, $0xb8;
	[tilespmem:$0xC080] =	vst v63  }
0x4b: {  	_ = 	snop  }
0x4c: {  	[tilespmem:s22], [sflag:$0x1] =	stream.indirect_vreg.gather [hbm4b:s3+s2], $0x80, v3, vm0, $0xb8;
	[tilespmem:$0xC080] =	vst v63  }
0x4d: {  	_ = 	snop  }
0x4e: {  	[tilespmem:s23], [sflag:$0x1] =	stream.indirect_vreg.gather [hbm4b:s4+s2], $0x80, v3, vm0, $0xb8;
	[tilespmem:$0xC080] =	vst v63  }
0x4f: {  	_ = 	snop  }
0x50: {  	[tilespmem:s24], [sflag:$0x1] =	stream.indirect_vreg.gather [hbm4b:s5+s2], $0x80, v3, vm0, $0xb8;
	[tilespmem:$0xC080] =	vst v63  }
0x51: {  	v3 =	vld [tilespmem:$0x30];
	_ =	sdelay $0x4  }
0x52: {  	v63 =	vshrl.u32 v3, $0x3  }
0x53: {  	v4 =	vmul.u32 $0x30, v63  }
0x54: {  	v3 =	vand.u32 $0x7, v3  }
0x55: {  	v3 =	vor.u32 v3, v4  }
0x56: {  	v4 =	vperm.xlane v3, v0;
	_ =	sdelay $0x1  }
0x57: {  	v4 =	vadd.s32 v1, v4;
	_ =	sdelay $0x3  }
0x58: {  	v3 =	vperm.xlane v3, v2  }
0x59: {  	[tilespmem:s25], [sflag:$0x1] =	stream.indirect_vreg.gather [hbm4b:s3+s2], $0x80, v4, vm0, $0xb8;
	[tilespmem:$0xC080] =	vst v63  }
0x5a: {  	v3 =	vadd.s32 v1, v3  }
0x5b: {  	[tilespmem:s26], [sflag:$0x1] =	stream.indirect_vreg.gather [hbm4b:s4+s2], $0x80, v4, vm0, $0xb8;
	[tilespmem:$0xC080] =	vst v63  }
0x5c: {  	_ = 	snop  }
0x5d: {  	[tilespmem:s28], [sflag:$0x1] =	stream.indirect_vreg.gather [hbm4b:s5+s2], $0x80, v4, vm0, $0xb8;
	[tilespmem:$0xC080] =	vst v63  }
0x5e: {  	_ = 	snop  }
0x5f: {  	[tilespmem:s29], [sflag:$0x1] =	stream.indirect_vreg.gather [hbm4b:s3+s2], $0x80, v3, vm0, $0xb8;
	[tilespmem:$0xC080] =	vst v63  }
0x60: {  	_ = 	snop  }
0x61: {  	[tilespmem:s30], [sflag:$0x1] =	stream.indirect_vreg.gather [hbm4b:s4+s2], $0x80, v3, vm0, $0xb8;
	[tilespmem:$0xC080] =	vst v63  }
0x62: {  	_ = 	snop  }
0x63: {  	[tilespmem:s31], [sflag:$0x1] =	stream.indirect_vreg.gather [hbm4b:s5+s2], $0x80, v3, vm0, $0xb8;
	[tilespmem:$0xC080] =	vst v63  }
0x64: {  	_ =	swait.ge [sflag:s0], $0xC000  }
0x65: {  	p0 =	sne.s32 s6, $0x1;
	[sflag:s0] =	ssyncset.done $0x0  }
.Ltmp0:
0x66: {  	s1 =	rddreg [dreg:$0x4];
	[sflag:s0] =	ssyncadd.s32 $0xFFFF4000;
	(pc) =	sbr.rel @p0 .LBB2_1-.Ltmp0, $4  }
0x67: {  	[hbm4b:s1+s2] =	stream.linear.scatter [tilespmem:s8], [sflag:$0x2], $0xC000, $0x38;
	[tilespmem:$0xC080] =	vst v63  }
0x68: {  	_ =	swait.ge [sflag:s7], $0xC000  }
0x69: {  	[sflag:s7] =	ssyncset.done $0x0  }
0x6a: {  	s6 =	sadd.s32 $0xFFFFFFFF, s6;
	[sflag:s7] =	ssyncadd.s32 $0xFFFF4000  }
0x6b: {  	_ =	sfence.sel $0x180000  }
0x6c: {  	[bflag:$0x0] =	sbarrier.arrive $0xFFFF  }
0x6d: {  	_ =	strace $0x9000004A  }
0x6e: {  	s0 =	stileid.u32;
	[bflag:$0x2] =	sbarrier.arrive $0xFFFF  }
0x6f: {  	p0 =	sne.s32 s0, $0x0;
	s0 =	rddreg [dreg:$0x2]  }
0x70: {  	s0 =	sadd.s32 @!p0 $0x100000, s0  }
0x71: {  	[sflag:s0] =	ssyncadd.tile.s32 @!p0 $0x1;
	_ =	shalt  }
.Lfunc_end2:
_tile_overlayer_lowered:
.L_overlay_start_2:
0x72: {  	(tag) =	ssettag $0x2  }
0x73: {  	s0 =	rddreg [dreg:$0x0];
	s2 =	stileid.u32  }
0x74: {  	s1 =	rddreg [dreg:$0x1];
	p0 =	sne.s32 s2, $0x0  }
0x75: {  	s3 =	rddreg [dreg:$0x2];
	[bflag:$0x3] =	sbarrier.arrive $0xFFFF;
	s2 =	simm.s32 @!p0 $0x1C02  }
0x76: {  	[timem:s3], [sflag:s2] =	dma.local @!p0 [hbm:s0], s1  }
0x77: {  	s0 =	simm.s32 @!p0 $0x2  }
0x78: {  	_ =	swait.ge @!p0 [sflag:s0], s1  }
0x79: {  	s1 =	ssub.s32 @!p0 $0x0, s1;
	[sflag:s0] =	ssyncset.done @!p0 $0x0  }
0x7a: {  	[sflag:s0] =	ssyncadd.s32 @!p0 s1  }
0x7b: {  	[bflag:$0x3] =	sbarrier.arrive $0xFFFF  }
0x7c: {  	_ =	shalt  }

</sc_bundles>
